<compile_context>
chip_gen: v7x
topology: tpu7x:2x2x1
jax: 0.10.2.dev20260603
libtpu: 0.0.44.dev20260713+nightly
codegen_flags: <defaults>
</compile_context>

<pallas_src>
import jax
import jax.numpy as jnp
from jax import lax
from jax.experimental import pallas as pl
from jax.experimental.pallas import tpu as pltpu
from jax.experimental.pallas import tpu_sc as plsc

NUM_FIELDS = 26
CARD = 100000
DIM = 32
BATCH = 4096

V = CARD + 1
R = NUM_FIELDS * DIM
NW = 32
NGROUP = R // 8
GPW = (NGROUP + NW - 1) // NW
L = 16

CW = 4096
NFULL = 24
TAILW = 1664
TAILBASE = NFULL * CW + TAILW
SUP_SHIFT = 14
NSUP = 7
CH_SHIFT = 12


def _body(x_hbm, tbl_hbm, tail_hbm, out_hbm,
          xrow_v, out_v, arena_v, arena_b, hist_v, sb_v, chA, chB, tail_v,
          semA, semB):
    wid = lax.axis_index("s") * 2 + lax.axis_index("c")
    lanes16 = lax.iota(jnp.int32, L)
    zeros16 = jnp.zeros((L,), jnp.int32)
    ones16 = jnp.ones((L,), jnp.int32)

    def process_group(g):
        r0 = pl.multiple_of(g * 8, 8)
        f = g // 4

        def start(c, buf, sem):
            cp = pltpu.make_async_copy(
                tbl_hbm.at[pl.ds(r0, 8), pl.ds(c * CW, CW)], buf, sem)
            cp.start()
            return cp

        start(0, chA, semA)
        start(1, chB, semB)

        pltpu.sync_copy(x_hbm.at[pl.ds(f * BATCH, BATCH)], xrow_v)

        for s in range(NSUP):
            hist_v[pl.ds(s * L, L)] = zeros16

        def hist_step(t, _):
            v = xrow_v[pl.ds(t * L, L)]
            addr = lax.shift_right_logical(v, SUP_SHIFT) * L + lanes16
            plsc.addupdate_scatter(hist_v, [addr], ones16)
            return _

        lax.fori_loop(0, BATCH // L, hist_step, None)

        run = jnp.int32(0)
        sb_v[0] = run
        for s in range(NSUP):
            run = run + jnp.sum(hist_v[pl.ds(s * L, L)])
            sb_v[s + 1] = run

        def append_step(t, curs):
            v = xrow_v[pl.ds(t * L, L)]
            sup = lax.shift_right_logical(v, SUP_SHIFT)
            bvec = t * L + lanes16
            new_curs = []
            for s in range(NSUP):
                m = sup == s
                mi = m.astype(jnp.int32)
                inc = plsc.cumsum(mi)
                pos = curs[s] + inc - mi
                plsc.store_scatter(arena_v, [pos], v, mask=m)
                plsc.store_scatter(arena_b, [pos], bvec, mask=m)
                new_curs.append(curs[s] + plsc.all_reduce_population_count(m))
            return tuple(new_curs)

        lax.fori_loop(0, BATCH // L, append_step,
                      tuple(jnp.full((L,), sb_v[s], jnp.int32)
                            for s in range(NSUP)))

        def extract(c, buf):
            s = lax.shift_right_logical(c, 2)
            seg_lo = sb_v[s]
            seg_hi = sb_v[s + 1]
            nb = lax.shift_right_logical(seg_hi - seg_lo + (L - 1), 4)

            def block(j, _):
                base = seg_lo + j * L
                pos = base + lanes16
                mb = pos < seg_hi
                va = plsc.load_gather(arena_v, [pos], mask=mb)
                ba = plsc.load_gather(arena_b, [pos], mask=mb)
                mc = (mb & (lax.shift_right_logical(va, CH_SHIFT) == c)
                      & (va < TAILBASE))
                loc = lax.bitwise_and(va, CW - 1)
                for dd in range(8):
                    ddv = jnp.full((L,), dd, jnp.int32)
                    val = plsc.load_gather(buf, [ddv, loc], mask=mc)
                    plsc.store_scatter(out_v, [ddv, ba], val, mask=mc)
                return _

            lax.fori_loop(0, nb, block, None)

        bufs = (chA, chB)
        sems = (semA, semB)

        def pair(cc, _):
            for b in range(2):
                c = cc * 2 + b
                pltpu.make_async_copy(
                    tbl_hbm.at[pl.ds(r0, 8), pl.ds(c * CW, CW)],
                    bufs[b], sems[b]).wait()
                extract(c, bufs[b])

                @pl.when(c + 2 < NFULL)
                def _prefetch(c=c, b=b):
                    start(c + 2, bufs[b], sems[b])

            return _

        lax.fori_loop(0, NFULL // 2, pair, None)

        tail = pltpu.make_async_copy(
            tbl_hbm.at[pl.ds(r0, 8), pl.ds(NFULL * CW, TAILW)],
            chA.at[:, pl.ds(0, TAILW)], semA)
        tail.start()
        tail.wait()
        extract(jnp.int32(NFULL), chA)

        tt = pltpu.make_async_copy(tail_hbm.at[pl.ds(r0, 8), :], tail_v, semA)
        tt.start()
        tt.wait()
        seg_lo = sb_v[NSUP - 1]
        seg_hi = sb_v[NSUP]
        nb = lax.shift_right_logical(seg_hi - seg_lo + (L - 1), 4)

        def tail_block(j, _):
            pos = seg_lo + j * L + lanes16
            mb = pos < seg_hi
            va = plsc.load_gather(arena_v, [pos], mask=mb)
            ba = plsc.load_gather(arena_b, [pos], mask=mb)
            mc = mb & (va >= TAILBASE)
            loc = jnp.maximum(va - TAILBASE, 0)
            for dd in range(8):
                ddv = jnp.full((L,), dd, jnp.int32)
                val = plsc.load_gather(tail_v, [ddv, loc], mask=mc)
                plsc.store_scatter(out_v, [ddv, ba], val, mask=mc)
            return _

        lax.fori_loop(0, nb, tail_block, None)

        pltpu.sync_copy(out_v, out_hbm.at[pl.ds(r0, 8), :])

    def rep_body(rep, _):
        g = wid + rep * NW

        @pl.when(g < NGROUP)
        def _run():
            process_group(g)

        return _

    lax.fori_loop(0, GPW, rep_body, None)


@jax.jit
def kernel(x, tables):
    xT = jnp.pad(x.T, ((0, 32 - NUM_FIELDS), (0, 0))).reshape(32 * BATCH)
    t2 = jnp.transpose(tables, (0, 2, 1)).reshape(R, V)
    ttail = jnp.pad(
        jnp.transpose(tables[:, TAILBASE:, :], (0, 2, 1)).reshape(R, V - TAILBASE),
        ((0, 0), (0, 128 - (V - TAILBASE))))
    mesh = plsc.VectorSubcoreMesh(core_axis_name="c", subcore_axis_name="s")
    out3 = pl.kernel(
        _body,
        out_type=jax.ShapeDtypeStruct((R, BATCH), jnp.float32),
        mesh=mesh,
        scratch_types=[
            pltpu.VMEM((BATCH,), jnp.int32),
            pltpu.VMEM((8, BATCH), jnp.float32),
            pltpu.VMEM((BATCH + 64,), jnp.int32),
            pltpu.VMEM((BATCH + 64,), jnp.int32),
            pltpu.VMEM((NSUP * L,), jnp.int32),
            pltpu.SMEM((L,), jnp.int32),
            pltpu.VMEM((8, CW), jnp.float32),
            pltpu.VMEM((8, CW), jnp.float32),
            pltpu.VMEM((8, 128), jnp.float32),
            pltpu.SemaphoreType.DMA,
            pltpu.SemaphoreType.DMA,
        ],
        compiler_params=pltpu.CompilerParams(needs_layout_passes=False),
    )(xT, t2, ttail)
    return out3.T.reshape(BATCH, NUM_FIELDS * DIM)

# --- scband reference (transcript-rebuilt; emitter-appended) ---
"""Pipeline reference for scband-categorical-embedder-39256001085831 (READ-ONLY COPY).

The authoritative reference and input builder live on the scoring server;
editing this copy changes nothing except your own understanding.
"""

import jax, jax.numpy as jnp
import numpy as np

NUM_FIELDS = 26
CARD = 100000
DIM = 32
BATCH = 4096


def setup_inputs(seed: int = 0) -> dict:
    key = jax.random.key(seed)
    k1, k2 = jax.random.split(key)
    # forward arg: integer categorical ids, shape [batch, n_fields]
    x = jax.random.randint(k1, (BATCH, NUM_FIELDS), 0, CARD, dtype=jnp.int32)
    # learned params: one embedding table per field, each [card+1, dim]; stacked
    tables = jax.random.normal(k2, (NUM_FIELDS, CARD + 1, DIM), dtype=jnp.float32) * 0.05
    return {"x": x, "tables": tables}


def reference(x, tables):
    # Faithful translation of CategoricalEmbedder.call:
    # embedded = [emb_i(x[:, i]) for each field i]; concat on last axis
    embedded = [jnp.take(tables[i], x[:, i], axis=0) for i in range(NUM_FIELDS)]
    return jnp.concatenate(embedded, axis=-1)

if __name__ == "__main__":
    import jax
    _d = setup_inputs()
    print(jax.jit(kernel)(*tuple(_d.values())))

</pallas_src>

<mosaic_0001>
#map = affine_map<(d0, d1) -> (0)>
#map1 = affine_map<(d0, d1) -> (0, 0)>
module attributes {stable_mosaic.version = 14 : i64} {
  func.func @_body(%arg0: i32, %arg1: i32, %arg2: memref<131072xi32, #tpu.memory_space<hbm>>, %arg3: memref<832x100001xf32, #tpu.memory_space<hbm>>, %arg4: memref<832x128xf32, #tpu.memory_space<hbm>>, %arg5: memref<832x4096xf32, #tpu.memory_space<hbm>>, %arg6: memref<4096xi32, #tpu.memory_space<vmem>>, %arg7: memref<8x4096xf32, #tpu.memory_space<vmem>>, %arg8: memref<4160xi32, #tpu.memory_space<vmem>>, %arg9: memref<4160xi32, #tpu.memory_space<vmem>>, %arg10: memref<112xi32, #tpu.memory_space<vmem>>, %arg11: memref<16xi32, #tpu.memory_space<smem>>, %arg12: memref<8x4096xf32, #tpu.memory_space<vmem>>, %arg13: memref<8x4096xf32, #tpu.memory_space<vmem>>, %arg14: memref<8x128xf32, #tpu.memory_space<vmem>>, %arg15: memref<!tpu.dma_semaphore, #tpu.memory_space<semaphore_mem>>, %arg16: memref<!tpu.dma_semaphore, #tpu.memory_space<semaphore_mem>>) attributes {dimension_semantics = [#tpu.dimension_semantics<core_parallel>, #tpu.dimension_semantics<subcore_parallel>], iteration_bounds = array<i64: 2, 16>, scalar_prefetch = 0 : i64, scratch_operands = 11 : i64, tpu.core_type = #tpu.core_type<sc_vector_subcore>, window_params = [{transform_indices = #map}, {transform_indices = #map1}, {transform_indices = #map1}, {transform_indices = #map1}]} {
    %mul3A = arith.constant 2 : i32
    %mul3A_0 = arith.muli %arg1, %mul3A : i32
    %add3A = arith.addi %mul3A_0, %arg0 : i32
    %iota3A = tpu.iota {dimensions = array<i32: 0>} : vector<16xi32>
    %broadcast_in_dim3A = arith.constant 0 : i32
    %broadcast_in_dim3A_1 = vector.broadcast %broadcast_in_dim3A : i32 to vector<16xi32>
    %broadcast_in_dim3A_2 = arith.constant 1 : i32
    %broadcast_in_dim3A_3 = vector.broadcast %broadcast_in_dim3A_2 : i32 to vector<16xi32>
    %scan3A = arith.constant 0 : i32
    %scan3A_4 = arith.constant 4 : i32
    %scan3A_5 = arith.addi %scan3A, %scan3A_4 : i32
    %scan3A_6 = arith.constant 1 : i32
    scf.for %scan3A_8 = %scan3A to %scan3A_5 step %scan3A_6  : i32 {
      %mul3A_9 = arith.constant 32 : i32
      %mul3A_10 = arith.muli %scan3A_8, %mul3A_9 : i32
      %add3A_11 = arith.addi %add3A, %mul3A_10 : i32
      %lt3A = arith.constant 104 : i32
      %lt3A_12 = arith.cmpi slt, %add3A_11, %lt3A : i32
      %convert_element_type3A = arith.extui %lt3A_12 : i1 to i32
      %cond3A = arith.constant 0 : i32
      %cond3A_13 = arith.cmpi ne, %convert_element_type3A, %cond3A : i32
      scf.if %cond3A_13 {
        %mul3A_14 = arith.constant 8 : i32
        %mul3A_15 = arith.muli %add3A_11, %mul3A_14 : i32
        %multiple_of3A = tpu.assume_multiple %mul3A_15, 8 : i32
        %jit3A = arith.constant 4 : i32
        %div3A = arith.divsi %add3A_11, %jit3A : i32
        %sign3A = arith.constant 0 : i32
        %sign3A_16 = arith.cmpi sgt, %add3A_11, %sign3A : i32
        %sign3A_17 = arith.extui %sign3A_16 : i1 to i32
        %sign3A_18 = arith.constant 0 : i32
        %sign3A_19 = arith.cmpi slt, %add3A_11, %sign3A_18 : i32
        %sign3A_20 = arith.extui %sign3A_19 : i1 to i32
        %sign3A_21 = arith.subi %sign3A_17, %sign3A_20 : i32
        %sign3A_22 = arith.constant 0 : i32
        %sign3A_23 = arith.cmpi sgt, %jit3A, %sign3A_22 : i32
        %sign3A_24 = arith.extui %sign3A_23 : i1 to i32
        %sign3A_25 = arith.constant 0 : i32
        %sign3A_26 = arith.cmpi slt, %jit3A, %sign3A_25 : i32
        %sign3A_27 = arith.extui %sign3A_26 : i1 to i32
        %sign3A_28 = arith.subi %sign3A_24, %sign3A_27 : i32
        %ne3A = arith.cmpi ne, %sign3A_21, %sign3A_28 : i32
        %rem3A = arith.remsi %add3A_11, %jit3A : i32
        %ne3A_29 = arith.constant 0 : i32
        %ne3A_30 = arith.cmpi ne, %rem3A, %ne3A_29 : i32
        %and3A = arith.andi %ne3A, %ne3A_30 : i1
        %sub3A = arith.constant 1 : i32
        %sub3A_31 = arith.subi %div3A, %sub3A : i32
        %select_n3A = arith.select %and3A, %sub3A_31, %div3A : i32
        %dma_start3A = arith.constant 0 : i32
        %dma_start3A_32 = tpu.memref_slice %arg3[%multiple_of3A, %dma_start3A] : memref<832x100001xf32, #tpu.memory_space<hbm>> -> memref<8x4096xf32, #tpu.memory_space<hbm>>
        %dma_start3A_33 = arith.constant 0 : i32
        %dma_start3A_34 = tpu.memref_slice %arg3[%multiple_of3A, %dma_start3A_33] : memref<832x100001xf32, #tpu.memory_space<hbm>> -> memref<8x4096xf32, #tpu.memory_space<hbm>>
        tpu.enqueue_dma source(%dma_start3A_34 : memref<8x4096xf32, #tpu.memory_space<hbm>>) target(%arg12 : memref<8x4096xf32, #tpu.memory_space<vmem>>) target_semaphore(%arg15 : memref<!tpu.dma_semaphore, #tpu.memory_space<semaphore_mem>>)
        %dma_start3A_35 = arith.constant 4096 : i32
        %dma_start3A_36 = tpu.memref_slice %arg3[%multiple_of3A, %dma_start3A_35] : memref<832x100001xf32, #tpu.memory_space<hbm>> -> memref<8x4096xf32, #tpu.memory_space<hbm>>
        %dma_start3A_37 = arith.constant 4096 : i32
        %dma_start3A_38 = tpu.memref_slice %arg3[%multiple_of3A, %dma_start3A_37] : memref<832x100001xf32, #tpu.memory_space<hbm>> -> memref<8x4096xf32, #tpu.memory_space<hbm>>
        tpu.enqueue_dma source(%dma_start3A_38 : memref<8x4096xf32, #tpu.memory_space<hbm>>) target(%arg13 : memref<8x4096xf32, #tpu.memory_space<vmem>>) target_semaphore(%arg16 : memref<!tpu.dma_semaphore, #tpu.memory_space<semaphore_mem>>)
        %mul3A_39 = arith.constant 4096 : i32
        %mul3A_40 = arith.muli %select_n3A, %mul3A_39 : i32
        "tpu.region"() ({
          %run_scoped3A = tpu.sem_alloc : memref<!tpu.dma_semaphore, #tpu.memory_space<semaphore_mem>>
          %dma_start3A_240 = tpu.memref_slice %arg2[%mul3A_40] : memref<131072xi32, #tpu.memory_space<hbm>> -> memref<4096xi32, #tpu.memory_space<hbm>>
          %dma_start3A_241 = tpu.memref_slice %arg2[%mul3A_40] : memref<131072xi32, #tpu.memory_space<hbm>> -> memref<4096xi32, #tpu.memory_space<hbm>>
          tpu.enqueue_dma source(%dma_start3A_241 : memref<4096xi32, #tpu.memory_space<hbm>>) target(%arg6 : memref<4096xi32, #tpu.memory_space<vmem>>) target_semaphore(%run_scoped3A : memref<!tpu.dma_semaphore, #tpu.memory_space<semaphore_mem>>)
          %dma_wait3A_242 = tpu.memref_slice %arg2[%mul3A_40] : memref<131072xi32, #tpu.memory_space<hbm>> -> memref<4096xi32, #tpu.memory_space<hbm>>
          %dma_wait3A_243 = tpu.memref_slice %arg2[%mul3A_40] : memref<131072xi32, #tpu.memory_space<hbm>> -> memref<4096xi32, #tpu.memory_space<hbm>>
          tpu.wait_dma2 semaphore(%run_scoped3A : memref<!tpu.dma_semaphore, #tpu.memory_space<semaphore_mem>>) src(%dma_wait3A_243 : memref<4096xi32, #tpu.memory_space<hbm>>) dst(%arg6 : memref<4096xi32, #tpu.memory_space<vmem>>)
          tpu.yield
        }) : () -> ()
        %swap3A = arith.constant 0 : index
        %swap3A_41 = tpu.vector_load %arg10[%swap3A] {strides = array<i32>} : memref<112xi32, #tpu.memory_space<vmem>>, vector<16xi32>,
        tpu.vector_store %arg10[%swap3A], %broadcast_in_dim3A_1 {strides = array<i32>} : memref<112xi32, #tpu.memory_space<vmem>>, vector<16xi32>,
        %swap3A_42 = arith.constant 16 : index
        %swap3A_43 = tpu.vector_load %arg10[%swap3A_42] {strides = array<i32>} : memref<112xi32, #tpu.memory_space<vmem>>, vector<16xi32>,
        tpu.vector_store %arg10[%swap3A_42], %broadcast_in_dim3A_1 {strides = array<i32>} : memref<112xi32, #tpu.memory_space<vmem>>, vector<16xi32>,
        %swap3A_44 = arith.constant 32 : index
        %swap3A_45 = tpu.vector_load %arg10[%swap3A_44] {strides = array<i32>} : memref<112xi32, #tpu.memory_space<vmem>>, vector<16xi32>,
        tpu.vector_store %arg10[%swap3A_44], %broadcast_in_dim3A_1 {strides = array<i32>} : memref<112xi32, #tpu.memory_space<vmem>>, vector<16xi32>,
        %swap3A_46 = arith.constant 48 : index
        %swap3A_47 = tpu.vector_load %arg10[%swap3A_46] {strides = array<i32>} : memref<112xi32, #tpu.memory_space<vmem>>, vector<16xi32>,
        tpu.vector_store %arg10[%swap3A_46], %broadcast_in_dim3A_1 {strides = array<i32>} : memref<112xi32, #tpu.memory_space<vmem>>, vector<16xi32>,
        %swap3A_48 = arith.constant 64 : index
        %swap3A_49 = tpu.vector_load %arg10[%swap3A_48] {strides = array<i32>} : memref<112xi32, #tpu.memory_space<vmem>>, vector<16xi32>,
        tpu.vector_store %arg10[%swap3A_48], %broadcast_in_dim3A_1 {strides = array<i32>} : memref<112xi32, #tpu.memory_space<vmem>>, vector<16xi32>,
        %swap3A_50 = arith.constant 80 : index
        %swap3A_51 = tpu.vector_load %arg10[%swap3A_50] {strides = array<i32>} : memref<112xi32, #tpu.memory_space<vmem>>, vector<16xi32>,
        tpu.vector_store %arg10[%swap3A_50], %broadcast_in_dim3A_1 {strides = array<i32>} : memref<112xi32, #tpu.memory_space<vmem>>, vector<16xi32>,
        %swap3A_52 = arith.constant 96 : index
        %swap3A_53 = tpu.vector_load %arg10[%swap3A_52] {strides = array<i32>} : memref<112xi32, #tpu.memory_space<vmem>>, vector<16xi32>,
        tpu.vector_store %arg10[%swap3A_52], %broadcast_in_dim3A_1 {strides = array<i32>} : memref<112xi32, #tpu.memory_space<vmem>>, vector<16xi32>,
        %scan3A_54 = arith.constant 0 : i32
        %scan3A_55 = arith.constant 256 : i32
        %scan3A_56 = arith.addi %scan3A_54, %scan3A_55 : i32
        %scan3A_57 = arith.constant 1 : i32
        scf.for %scan3A_240 = %scan3A_54 to %scan3A_56 step %scan3A_57  : i32 {
          %mul3A_241 = arith.constant 16 : i32
          %mul3A_242 = arith.muli %scan3A_240, %mul3A_241 : i32
          %get3A_243 = arith.index_cast %mul3A_242 : i32 to index
          %get3A_244 = tpu.vector_load %arg6[%get3A_243] {strides = array<i32>} : memref<4096xi32, #tpu.memory_space<vmem>>, vector<16xi32>,
          %shift_right_logical3A_245 = arith.constant 14 : i32
          %shift_right_logical3A_246 = vector.broadcast %shift_right_logical3A_245 : i32 to vector<16xi32>
          %shift_right_logical3A_247 = arith.shrui %get3A_244, %shift_right_logical3A_246 : vector<16xi32>
          %mul3A_248 = arith.constant 16 : i32
          %mul3A_249 = vector.broadcast %mul3A_248 : i32 to vector<16xi32>
          %mul3A_250 = arith.muli %shift_right_logical3A_247, %mul3A_249 : vector<16xi32>
          %add3A_251 = arith.addi %mul3A_250, %iota3A : vector<16xi32>
          tpu.vector_store_idx %arg10[%add3A_251], %broadcast_in_dim3A_3 {add = true} : memref<112xi32, #tpu.memory_space<vmem>>[vector<16xi32>], vector<16xi32>,
        }
        %scan3A_58 = arith.constant 256 : i32
        %swap3A_59 = arith.constant 0 : i32
        %swap3A_60 = arith.constant 0 : i32
        %swap3A_61 = arith.index_cast %swap3A_60 : i32 to index
        %swap3A_62 = memref.load %arg11[%swap3A_61] : memref<16xi32, #tpu.memory_space<smem>>
        memref.store %swap3A_59, %arg11[%swap3A_61] : memref<16xi32, #tpu.memory_space<smem>>
        %get3A = arith.constant 0 : index
        %get3A_63 = tpu.vector_load %arg10[%get3A] {strides = array<i32>} : memref<112xi32, #tpu.memory_space<vmem>>, vector<16xi32>,
        %reduce_sum3A = arith.constant true
        %reduce_sum3A_64 = vector.broadcast %reduce_sum3A : i1 to vector<16xi1>
        %reduce_sum3A_65 = tpu.scan <sum>, %get3A_63 masked %reduce_sum3A_64 : vector<16xi32>, vector<16xi1> -> vector<16xi32>
        %reduce_sum3A_66 = vector.extract %reduce_sum3A_65[15] : i32 from vector<16xi32>
        %add3A_67 = arith.constant 0 : i32
        %add3A_68 = arith.addi %add3A_67, %reduce_sum3A_66 : i32
        %swap3A_69 = arith.constant 1 : i32
        %swap3A_70 = arith.index_cast %swap3A_69 : i32 to index
        %swap3A_71 = memref.load %arg11[%swap3A_70] : memref<16xi32, #tpu.memory_space<smem>>
        memref.store %add3A_68, %arg11[%swap3A_70] : memref<16xi32, #tpu.memory_space<smem>>
        %get3A_72 = arith.constant 16 : index
        %get3A_73 = tpu.vector_load %arg10[%get3A_72] {strides = array<i32>} : memref<112xi32, #tpu.memory_space<vmem>>, vector<16xi32>,
        %reduce_sum3A_74 = arith.constant true
        %reduce_sum3A_75 = vector.broadcast %reduce_sum3A_74 : i1 to vector<16xi1>
        %reduce_sum3A_76 = tpu.scan <sum>, %get3A_73 masked %reduce_sum3A_75 : vector<16xi32>, vector<16xi1> -> vector<16xi32>
        %reduce_sum3A_77 = vector.extract %reduce_sum3A_76[15] : i32 from vector<16xi32>
        %add3A_78 = arith.addi %add3A_68, %reduce_sum3A_77 : i32
        %swap3A_79 = arith.constant 2 : i32
        %swap3A_80 = arith.index_cast %swap3A_79 : i32 to index
        %swap3A_81 = memref.load %arg11[%swap3A_80] : memref<16xi32, #tpu.memory_space<smem>>
        memref.store %add3A_78, %arg11[%swap3A_80] : memref<16xi32, #tpu.memory_space<smem>>
        %get3A_82 = arith.constant 32 : index
        %get3A_83 = tpu.vector_load %arg10[%get3A_82] {strides = array<i32>} : memref<112xi32, #tpu.memory_space<vmem>>, vector<16xi32>,
        %reduce_sum3A_84 = arith.constant true
        %reduce_sum3A_85 = vector.broadcast %reduce_sum3A_84 : i1 to vector<16xi1>
        %reduce_sum3A_86 = tpu.scan <sum>, %get3A_83 masked %reduce_sum3A_85 : vector<16xi32>, vector<16xi1> -> vector<16xi32>
        %reduce_sum3A_87 = vector.extract %reduce_sum3A_86[15] : i32 from vector<16xi32>
        %add3A_88 = arith.addi %add3A_78, %reduce_sum3A_87 : i32
        %swap3A_89 = arith.constant 3 : i32
        %swap3A_90 = arith.index_cast %swap3A_89 : i32 to index
        %swap3A_91 = memref.load %arg11[%swap3A_90] : memref<16xi32, #tpu.memory_space<smem>>
        memref.store %add3A_88, %arg11[%swap3A_90] : memref<16xi32, #tpu.memory_space<smem>>
        %get3A_92 = arith.constant 48 : index
        %get3A_93 = tpu.vector_load %arg10[%get3A_92] {strides = array<i32>} : memref<112xi32, #tpu.memory_space<vmem>>, vector<16xi32>,
        %reduce_sum3A_94 = arith.constant true
        %reduce_sum3A_95 = vector.broadcast %reduce_sum3A_94 : i1 to vector<16xi1>
        %reduce_sum3A_96 = tpu.scan <sum>, %get3A_93 masked %reduce_sum3A_95 : vector<16xi32>, vector<16xi1> -> vector<16xi32>
        %reduce_sum3A_97 = vector.extract %reduce_sum3A_96[15] : i32 from vector<16xi32>
        %add3A_98 = arith.addi %add3A_88, %reduce_sum3A_97 : i32
        %swap3A_99 = arith.constant 4 : i32
        %swap3A_100 = arith.index_cast %swap3A_99 : i32 to index
        %swap3A_101 = memref.load %arg11[%swap3A_100] : memref<16xi32, #tpu.memory_space<smem>>
        memref.store %add3A_98, %arg11[%swap3A_100] : memref<16xi32, #tpu.memory_space<smem>>
        %get3A_102 = arith.constant 64 : index
        %get3A_103 = tpu.vector_load %arg10[%get3A_102] {strides = array<i32>} : memref<112xi32, #tpu.memory_space<vmem>>, vector<16xi32>,
        %reduce_sum3A_104 = arith.constant true
        %reduce_sum3A_105 = vector.broadcast %reduce_sum3A_104 : i1 to vector<16xi1>
        %reduce_sum3A_106 = tpu.scan <sum>, %get3A_103 masked %reduce_sum3A_105 : vector<16xi32>, vector<16xi1> -> vector<16xi32>
        %reduce_sum3A_107 = vector.extract %reduce_sum3A_106[15] : i32 from vector<16xi32>
        %add3A_108 = arith.addi %add3A_98, %reduce_sum3A_107 : i32
        %swap3A_109 = arith.constant 5 : i32
        %swap3A_110 = arith.index_cast %swap3A_109 : i32 to index
        %swap3A_111 = memref.load %arg11[%swap3A_110] : memref<16xi32, #tpu.memory_space<smem>>
        memref.store %add3A_108, %arg11[%swap3A_110] : memref<16xi32, #tpu.memory_space<smem>>
        %get3A_112 = arith.constant 80 : index
        %get3A_113 = tpu.vector_load %arg10[%get3A_112] {strides = array<i32>} : memref<112xi32, #tpu.memory_space<vmem>>, vector<16xi32>,
        %reduce_sum3A_114 = arith.constant true
        %reduce_sum3A_115 = vector.broadcast %reduce_sum3A_114 : i1 to vector<16xi1>
        %reduce_sum3A_116 = tpu.scan <sum>, %get3A_113 masked %reduce_sum3A_115 : vector<16xi32>, vector<16xi1> -> vector<16xi32>
        %reduce_sum3A_117 = vector.extract %reduce_sum3A_116[15] : i32 from vector<16xi32>
        %add3A_118 = arith.addi %add3A_108, %reduce_sum3A_117 : i32
        %swap3A_119 = arith.constant 6 : i32
        %swap3A_120 = arith.index_cast %swap3A_119 : i32 to index
        %swap3A_121 = memref.load %arg11[%swap3A_120] : memref<16xi32, #tpu.memory_space<smem>>
        memref.store %add3A_118, %arg11[%swap3A_120] : memref<16xi32, #tpu.memory_space<smem>>
        %get3A_122 = arith.constant 96 : index
        %get3A_123 = tpu.vector_load %arg10[%get3A_122] {strides = array<i32>} : memref<112xi32, #tpu.memory_space<vmem>>, vector<16xi32>,
        %reduce_sum3A_124 = arith.constant true
        %reduce_sum3A_125 = vector.broadcast %reduce_sum3A_124 : i1 to vector<16xi1>
        %reduce_sum3A_126 = tpu.scan <sum>, %get3A_123 masked %reduce_sum3A_125 : vector<16xi32>, vector<16xi1> -> vector<16xi32>
        %reduce_sum3A_127 = vector.extract %reduce_sum3A_126[15] : i32 from vector<16xi32>
        %add3A_128 = arith.addi %add3A_118, %reduce_sum3A_127 : i32
        %swap3A_129 = arith.constant 7 : i32
        %swap3A_130 = arith.index_cast %swap3A_129 : i32 to index
        %swap3A_131 = memref.load %arg11[%swap3A_130] : memref<16xi32, #tpu.memory_space<smem>>
        memref.store %add3A_128, %arg11[%swap3A_130] : memref<16xi32, #tpu.memory_space<smem>>
        %get3A_132 = arith.constant 0 : i32
        %get3A_133 = arith.index_cast %get3A_132 : i32 to index
        %get3A_134 = memref.load %arg11[%get3A_133] : memref<16xi32, #tpu.memory_space<smem>>
        %broadcast_in_dim3A_135 = vector.broadcast %get3A_134 : i32 to vector<16xi32>
        %get3A_136 = arith.constant 1 : i32
        %get3A_137 = arith.index_cast %get3A_136 : i32 to index
        %get3A_138 = memref.load %arg11[%get3A_137] : memref<16xi32, #tpu.memory_space<smem>>
        %broadcast_in_dim3A_139 = vector.broadcast %get3A_138 : i32 to vector<16xi32>
        %get3A_140 = arith.constant 2 : i32
        %get3A_141 = arith.index_cast %get3A_140 : i32 to index
        %get3A_142 = memref.load %arg11[%get3A_141] : memref<16xi32, #tpu.memory_space<smem>>
        %broadcast_in_dim3A_143 = vector.broadcast %get3A_142 : i32 to vector<16xi32>
        %get3A_144 = arith.constant 3 : i32
        %get3A_145 = arith.index_cast %get3A_144 : i32 to index
        %get3A_146 = memref.load %arg11[%get3A_145] : memref<16xi32, #tpu.memory_space<smem>>
        %broadcast_in_dim3A_147 = vector.broadcast %get3A_146 : i32 to vector<16xi32>
        %get3A_148 = arith.constant 4 : i32
        %get3A_149 = arith.index_cast %get3A_148 : i32 to index
        %get3A_150 = memref.load %arg11[%get3A_149] : memref<16xi32, #tpu.memory_space<smem>>
        %broadcast_in_dim3A_151 = vector.broadcast %get3A_150 : i32 to vector<16xi32>
        %get3A_152 = arith.constant 5 : i32
        %get3A_153 = arith.index_cast %get3A_152 : i32 to index
        %get3A_154 = memref.load %arg11[%get3A_153] : memref<16xi32, #tpu.memory_space<smem>>
        %broadcast_in_dim3A_155 = vector.broadcast %get3A_154 : i32 to vector<16xi32>
        %get3A_156 = arith.constant 6 : i32
        %get3A_157 = arith.index_cast %get3A_156 : i32 to index
        %get3A_158 = memref.load %arg11[%get3A_157] : memref<16xi32, #tpu.memory_space<smem>>
        %broadcast_in_dim3A_159 = vector.broadcast %get3A_158 : i32 to vector<16xi32>
        %scan3A_160 = arith.constant 0 : i32
        %scan3A_161 = arith.constant 256 : i32
        %scan3A_162 = arith.addi %scan3A_160, %scan3A_161 : i32
        %scan3A_163 = arith.constant 1 : i32
        %scan3A_164:7 = scf.for %scan3A_240 = %scan3A_160 to %scan3A_162 step %scan3A_163 iter_args(%scan3A_241 = %broadcast_in_dim3A_135, %scan3A_242 = %broadcast_in_dim3A_139, %scan3A_243 = %broadcast_in_dim3A_143, %scan3A_244 = %broadcast_in_dim3A_147, %scan3A_245 = %broadcast_in_dim3A_151, %scan3A_246 = %broadcast_in_dim3A_155, %scan3A_247 = %broadcast_in_dim3A_159) -> (vector<16xi32>, vector<16xi32>, vector<16xi32>, vector<16xi32>, vector<16xi32>, vector<16xi32>, vector<16xi32>)  : i32 {
          %mul3A_248 = arith.constant 16 : i32
          %mul3A_249 = arith.muli %scan3A_240, %mul3A_248 : i32
          %get3A_250 = arith.index_cast %mul3A_249 : i32 to index
          %get3A_251 = tpu.vector_load %arg6[%get3A_250] {strides = array<i32>} : memref<4096xi32, #tpu.memory_space<vmem>>, vector<16xi32>,
          %shift_right_logical3A_252 = arith.constant 14 : i32
          %shift_right_logical3A_253 = vector.broadcast %shift_right_logical3A_252 : i32 to vector<16xi32>
          %shift_right_logical3A_254 = arith.shrui %get3A_251, %shift_right_logical3A_253 : vector<16xi32>
          %mul3A_255 = arith.constant 16 : i32
          %mul3A_256 = arith.muli %scan3A_240, %mul3A_255 : i32
          %add3A_257 = vector.broadcast %mul3A_256 : i32 to vector<16xi32>
          %add3A_258 = arith.addi %add3A_257, %iota3A : vector<16xi32>
          %eq3A = arith.constant 0 : i32
          %eq3A_259 = vector.broadcast %eq3A : i32 to vector<16xi32>
          %eq3A_260 = arith.cmpi eq, %shift_right_logical3A_254, %eq3A_259 : vector<16xi32>
          %convert_element_type3A_261 = arith.extui %eq3A_260 : vector<16xi1> to vector<16xi32>
          %broadcast_in_dim3A_262 = arith.constant true
          %broadcast_in_dim3A_263 = vector.broadcast %broadcast_in_dim3A_262 : i1 to vector<16xi1>
          %masked_cumsum3A = tpu.scan <sum>, %convert_element_type3A_261 masked %broadcast_in_dim3A_263 : vector<16xi32>, vector<16xi1> -> vector<16xi32>
          %add3A_264 = arith.addi %scan3A_241, %masked_cumsum3A : vector<16xi32>
          %sub3A_265 = arith.subi %add3A_264, %convert_element_type3A_261 : vector<16xi32>
          tpu.vector_store_idx %arg8[%sub3A_265], %get3A_251 masked %eq3A_260 : memref<4160xi32, #tpu.memory_space<vmem>>[vector<16xi32>], vector<16xi32>, vector<16xi1>
          tpu.vector_store_idx %arg9[%sub3A_265], %add3A_258 masked %eq3A_260 : memref<4160xi32, #tpu.memory_space<vmem>>[vector<16xi32>], vector<16xi32>, vector<16xi1>
          %all_reduce_population_count3A = tpu.all_reduce %eq3A_260 {dim = 0 : i64, kind = #tpu.reduction_kind<sum>} : vector<16xi1> -> vector<16xi32>
          %add3A_266 = arith.addi %scan3A_241, %all_reduce_population_count3A : vector<16xi32>
          %eq3A_267 = arith.constant 1 : i32
          %eq3A_268 = vector.broadcast %eq3A_267 : i32 to vector<16xi32>
          %eq3A_269 = arith.cmpi eq, %shift_right_logical3A_254, %eq3A_268 : vector<16xi32>
          %convert_element_type3A_270 = arith.extui %eq3A_269 : vector<16xi1> to vector<16xi32>
          %broadcast_in_dim3A_271 = arith.constant true
          %broadcast_in_dim3A_272 = vector.broadcast %broadcast_in_dim3A_271 : i1 to vector<16xi1>
          %masked_cumsum3A_273 = tpu.scan <sum>, %convert_element_type3A_270 masked %broadcast_in_dim3A_272 : vector<16xi32>, vector<16xi1> -> vector<16xi32>
          %add3A_274 = arith.addi %scan3A_242, %masked_cumsum3A_273 : vector<16xi32>
          %sub3A_275 = arith.subi %add3A_274, %convert_element_type3A_270 : vector<16xi32>
          tpu.vector_store_idx %arg8[%sub3A_275], %get3A_251 masked %eq3A_269 : memref<4160xi32, #tpu.memory_space<vmem>>[vector<16xi32>], vector<16xi32>, vector<16xi1>
          tpu.vector_store_idx %arg9[%sub3A_275], %add3A_258 masked %eq3A_269 : memref<4160xi32, #tpu.memory_space<vmem>>[vector<16xi32>], vector<16xi32>, vector<16xi1>
          %all_reduce_population_count3A_276 = tpu.all_reduce %eq3A_269 {dim = 0 : i64, kind = #tpu.reduction_kind<sum>} : vector<16xi1> -> vector<16xi32>
          %add3A_277 = arith.addi %scan3A_242, %all_reduce_population_count3A_276 : vector<16xi32>
          %eq3A_278 = arith.constant 2 : i32
          %eq3A_279 = vector.broadcast %eq3A_278 : i32 to vector<16xi32>
          %eq3A_280 = arith.cmpi eq, %shift_right_logical3A_254, %eq3A_279 : vector<16xi32>
          %convert_element_type3A_281 = arith.extui %eq3A_280 : vector<16xi1> to vector<16xi32>
          %broadcast_in_dim3A_282 = arith.constant true
          %broadcast_in_dim3A_283 = vector.broadcast %broadcast_in_dim3A_282 : i1 to vector<16xi1>
          %masked_cumsum3A_284 = tpu.scan <sum>, %convert_element_type3A_281 masked %broadcast_in_dim3A_283 : vector<16xi32>, vector<16xi1> -> vector<16xi32>
          %add3A_285 = arith.addi %scan3A_243, %masked_cumsum3A_284 : vector<16xi32>
          %sub3A_286 = arith.subi %add3A_285, %convert_element_type3A_281 : vector<16xi32>
          tpu.vector_store_idx %arg8[%sub3A_286], %get3A_251 masked %eq3A_280 : memref<4160xi32, #tpu.memory_space<vmem>>[vector<16xi32>], vector<16xi32>, vector<16xi1>
          tpu.vector_store_idx %arg9[%sub3A_286], %add3A_258 masked %eq3A_280 : memref<4160xi32, #tpu.memory_space<vmem>>[vector<16xi32>], vector<16xi32>, vector<16xi1>
          %all_reduce_population_count3A_287 = tpu.all_reduce %eq3A_280 {dim = 0 : i64, kind = #tpu.reduction_kind<sum>} : vector<16xi1> -> vector<16xi32>
          %add3A_288 = arith.addi %scan3A_243, %all_reduce_population_count3A_287 : vector<16xi32>
          %eq3A_289 = arith.constant 3 : i32
          %eq3A_290 = vector.broadcast %eq3A_289 : i32 to vector<16xi32>
          %eq3A_291 = arith.cmpi eq, %shift_right_logical3A_254, %eq3A_290 : vector<16xi32>
          %convert_element_type3A_292 = arith.extui %eq3A_291 : vector<16xi1> to vector<16xi32>
          %broadcast_in_dim3A_293 = arith.constant true
          %broadcast_in_dim3A_294 = vector.broadcast %broadcast_in_dim3A_293 : i1 to vector<16xi1>
          %masked_cumsum3A_295 = tpu.scan <sum>, %convert_element_type3A_292 masked %broadcast_in_dim3A_294 : vector<16xi32>, vector<16xi1> -> vector<16xi32>
          %add3A_296 = arith.addi %scan3A_244, %masked_cumsum3A_295 : vector<16xi32>
          %sub3A_297 = arith.subi %add3A_296, %convert_element_type3A_292 : vector<16xi32>
          tpu.vector_store_idx %arg8[%sub3A_297], %get3A_251 masked %eq3A_291 : memref<4160xi32, #tpu.memory_space<vmem>>[vector<16xi32>], vector<16xi32>, vector<16xi1>
          tpu.vector_store_idx %arg9[%sub3A_297], %add3A_258 masked %eq3A_291 : memref<4160xi32, #tpu.memory_space<vmem>>[vector<16xi32>], vector<16xi32>, vector<16xi1>
          %all_reduce_population_count3A_298 = tpu.all_reduce %eq3A_291 {dim = 0 : i64, kind = #tpu.reduction_kind<sum>} : vector<16xi1> -> vector<16xi32>
          %add3A_299 = arith.addi %scan3A_244, %all_reduce_population_count3A_298 : vector<16xi32>
          %eq3A_300 = arith.constant 4 : i32
          %eq3A_301 = vector.broadcast %eq3A_300 : i32 to vector<16xi32>
          %eq3A_302 = arith.cmpi eq, %shift_right_logical3A_254, %eq3A_301 : vector<16xi32>
          %convert_element_type3A_303 = arith.extui %eq3A_302 : vector<16xi1> to vector<16xi32>
          %broadcast_in_dim3A_304 = arith.constant true
          %broadcast_in_dim3A_305 = vector.broadcast %broadcast_in_dim3A_304 : i1 to vector<16xi1>
          %masked_cumsum3A_306 = tpu.scan <sum>, %convert_element_type3A_303 masked %broadcast_in_dim3A_305 : vector<16xi32>, vector<16xi1> -> vector<16xi32>
          %add3A_307 = arith.addi %scan3A_245, %masked_cumsum3A_306 : vector<16xi32>
          %sub3A_308 = arith.subi %add3A_307, %convert_element_type3A_303 : vector<16xi32>
          tpu.vector_store_idx %arg8[%sub3A_308], %get3A_251 masked %eq3A_302 : memref<4160xi32, #tpu.memory_space<vmem>>[vector<16xi32>], vector<16xi32>, vector<16xi1>
          tpu.vector_store_idx %arg9[%sub3A_308], %add3A_258 masked %eq3A_302 : memref<4160xi32, #tpu.memory_space<vmem>>[vector<16xi32>], vector<16xi32>, vector<16xi1>
          %all_reduce_population_count3A_309 = tpu.all_reduce %eq3A_302 {dim = 0 : i64, kind = #tpu.reduction_kind<sum>} : vector<16xi1> -> vector<16xi32>
          %add3A_310 = arith.addi %scan3A_245, %all_reduce_population_count3A_309 : vector<16xi32>
          %eq3A_311 = arith.constant 5 : i32
          %eq3A_312 = vector.broadcast %eq3A_311 : i32 to vector<16xi32>
          %eq3A_313 = arith.cmpi eq, %shift_right_logical3A_254, %eq3A_312 : vector<16xi32>
          %convert_element_type3A_314 = arith.extui %eq3A_313 : vector<16xi1> to vector<16xi32>
          %broadcast_in_dim3A_315 = arith.constant true
          %broadcast_in_dim3A_316 = vector.broadcast %broadcast_in_dim3A_315 : i1 to vector<16xi1>
          %masked_cumsum3A_317 = tpu.scan <sum>, %convert_element_type3A_314 masked %broadcast_in_dim3A_316 : vector<16xi32>, vector<16xi1> -> vector<16xi32>
          %add3A_318 = arith.addi %scan3A_246, %masked_cumsum3A_317 : vector<16xi32>
          %sub3A_319 = arith.subi %add3A_318, %convert_element_type3A_314 : vector<16xi32>
          tpu.vector_store_idx %arg8[%sub3A_319], %get3A_251 masked %eq3A_313 : memref<4160xi32, #tpu.memory_space<vmem>>[vector<16xi32>], vector<16xi32>, vector<16xi1>
          tpu.vector_store_idx %arg9[%sub3A_319], %add3A_258 masked %eq3A_313 : memref<4160xi32, #tpu.memory_space<vmem>>[vector<16xi32>], vector<16xi32>, vector<16xi1>
          %all_reduce_population_count3A_320 = tpu.all_reduce %eq3A_313 {dim = 0 : i64, kind = #tpu.reduction_kind<sum>} : vector<16xi1> -> vector<16xi32>
          %add3A_321 = arith.addi %scan3A_246, %all_reduce_population_count3A_320 : vector<16xi32>
          %eq3A_322 = arith.constant 6 : i32
          %eq3A_323 = vector.broadcast %eq3A_322 : i32 to vector<16xi32>
          %eq3A_324 = arith.cmpi eq, %shift_right_logical3A_254, %eq3A_323 : vector<16xi32>
          %convert_element_type3A_325 = arith.extui %eq3A_324 : vector<16xi1> to vector<16xi32>
          %broadcast_in_dim3A_326 = arith.constant true
          %broadcast_in_dim3A_327 = vector.broadcast %broadcast_in_dim3A_326 : i1 to vector<16xi1>
          %masked_cumsum3A_328 = tpu.scan <sum>, %convert_element_type3A_325 masked %broadcast_in_dim3A_327 : vector<16xi32>, vector<16xi1> -> vector<16xi32>
          %add3A_329 = arith.addi %scan3A_247, %masked_cumsum3A_328 : vector<16xi32>
          %sub3A_330 = arith.subi %add3A_329, %convert_element_type3A_325 : vector<16xi32>
          tpu.vector_store_idx %arg8[%sub3A_330], %get3A_251 masked %eq3A_324 : memref<4160xi32, #tpu.memory_space<vmem>>[vector<16xi32>], vector<16xi32>, vector<16xi1>
          tpu.vector_store_idx %arg9[%sub3A_330], %add3A_258 masked %eq3A_324 : memref<4160xi32, #tpu.memory_space<vmem>>[vector<16xi32>], vector<16xi32>, vector<16xi1>
          %all_reduce_population_count3A_331 = tpu.all_reduce %eq3A_324 {dim = 0 : i64, kind = #tpu.reduction_kind<sum>} : vector<16xi1> -> vector<16xi32>
          %add3A_332 = arith.addi %scan3A_247, %all_reduce_population_count3A_331 : vector<16xi32>
          scf.yield %add3A_266, %add3A_277, %add3A_288, %add3A_299, %add3A_310, %add3A_321, %add3A_332 : vector<16xi32>, vector<16xi32>, vector<16xi32>, vector<16xi32>, vector<16xi32>, vector<16xi32>, vector<16xi32>
        }
        %scan3A_165 = arith.constant 256 : i32
        %scan3A_166 = arith.constant 0 : i32
        %scan3A_167 = arith.constant 12 : i32
        %scan3A_168 = arith.addi %scan3A_166, %scan3A_167 : i32
        %scan3A_169 = arith.constant 1 : i32
        scf.for %scan3A_240 = %scan3A_166 to %scan3A_168 step %scan3A_169  : i32 {
          %mul3A_241 = arith.constant 2 : i32
          %mul3A_242 = arith.muli %scan3A_240, %mul3A_241 : i32
          %add3A_243 = arith.constant 0 : i32
          %add3A_244 = arith.addi %mul3A_242, %add3A_243 : i32
          %mul3A_245 = arith.constant 4096 : i32
          %mul3A_246 = arith.muli %add3A_244, %mul3A_245 : i32
          %dma_wait3A_247 = tpu.memref_slice %arg3[%multiple_of3A, %mul3A_246] : memref<832x100001xf32, #tpu.memory_space<hbm>> -> memref<8x4096xf32, #tpu.memory_space<hbm>>
          %dma_wait3A_248 = tpu.memref_slice %arg3[%multiple_of3A, %mul3A_246] : memref<832x100001xf32, #tpu.memory_space<hbm>> -> memref<8x4096xf32, #tpu.memory_space<hbm>>
          tpu.wait_dma2 semaphore(%arg15 : memref<!tpu.dma_semaphore, #tpu.memory_space<semaphore_mem>>) src(%dma_wait3A_248 : memref<8x4096xf32, #tpu.memory_space<hbm>>) dst(%arg12 : memref<8x4096xf32, #tpu.memory_space<vmem>>)
          %shift_right_logical3A_249 = arith.constant 2 : i32
          %shift_right_logical3A_250 = arith.shrui %add3A_244, %shift_right_logical3A_249 : i32
          %get3A_251 = arith.index_cast %shift_right_logical3A_250 : i32 to index
          %get3A_252 = memref.load %arg11[%get3A_251] : memref<16xi32, #tpu.memory_space<smem>>
          %add3A_253 = arith.constant 1 : i32
          %add3A_254 = arith.addi %shift_right_logical3A_250, %add3A_253 : i32
          %get3A_255 = arith.index_cast %add3A_254 : i32 to index
          %get3A_256 = memref.load %arg11[%get3A_255] : memref<16xi32, #tpu.memory_space<smem>>
          %sub3A_257 = arith.subi %get3A_256, %get3A_252 : i32
          %add3A_258 = arith.constant 15 : i32
          %add3A_259 = arith.addi %sub3A_257, %add3A_258 : i32
          %shift_right_logical3A_260 = arith.constant 4 : i32
          %shift_right_logical3A_261 = arith.shrui %add3A_259, %shift_right_logical3A_260 : i32
          %while3A_262 = arith.constant 0 : i32
          %while3A_263 = arith.subi %shift_right_logical3A_261, %while3A_262 : i32
          %while3A_264 = arith.addi %while3A_262, %while3A_263 : i32
          %while3A_265 = arith.constant 1 : i32
          %while3A_266 = arith.divsi %while3A_263, %while3A_265 : i32
          %while3A_267 = arith.muli %while3A_266, %while3A_265 : i32
          %while3A_268 = arith.addi %while3A_262, %while3A_267 : i32
          %while3A_269 = arith.constant 1 : i32
          scf.for %while3A_315 = %while3A_262 to %while3A_268 step %while3A_269  : i32 {
            %mul3A_316 = arith.constant 16 : i32
            %mul3A_317 = arith.muli %while3A_315, %mul3A_316 : i32
            %add3A_318 = arith.addi %get3A_252, %mul3A_317 : i32
            %add3A_319 = vector.broadcast %add3A_318 : i32 to vector<16xi32>
            %add3A_320 = arith.addi %add3A_319, %iota3A : vector<16xi32>
            %lt3A_321 = vector.broadcast %get3A_256 : i32 to vector<16xi32>
            %lt3A_322 = arith.cmpi slt, %add3A_320, %lt3A_321 : vector<16xi32>
            %gather3A = tpu.vector_load_idx %arg8[%add3A_320] masked %lt3A_322 : memref<4160xi32, #tpu.memory_space<vmem>>[vector<16xi32>], vector<16xi32>, vector<16xi1>
            %gather3A_323 = tpu.vector_load_idx %arg9[%add3A_320] masked %lt3A_322 : memref<4160xi32, #tpu.memory_space<vmem>>[vector<16xi32>], vector<16xi32>, vector<16xi1>
            %shift_right_logical3A_324 = arith.constant 12 : i32
            %shift_right_logical3A_325 = vector.broadcast %shift_right_logical3A_324 : i32 to vector<16xi32>
            %shift_right_logical3A_326 = arith.shrui %gather3A, %shift_right_logical3A_325 : vector<16xi32>
            %eq3A = vector.broadcast %add3A_244 : i32 to vector<16xi32>
            %eq3A_327 = arith.cmpi eq, %shift_right_logical3A_326, %eq3A : vector<16xi32>
            %and3A_328 = arith.andi %lt3A_322, %eq3A_327 : vector<16xi1>
            %lt3A_329 = arith.constant 99968 : i32
            %lt3A_330 = vector.broadcast %lt3A_329 : i32 to vector<16xi32>
            %lt3A_331 = arith.cmpi slt, %gather3A, %lt3A_330 : vector<16xi32>
            %and3A_332 = arith.andi %and3A_328, %lt3A_331 : vector<16xi1>
            %and3A_333 = arith.constant 4095 : i32
            %and3A_334 = vector.broadcast %and3A_333 : i32 to vector<16xi32>
            %and3A_335 = arith.andi %gather3A, %and3A_334 : vector<16xi32>
            %broadcast_in_dim3A_336 = arith.constant 0 : i32
            %broadcast_in_dim3A_337 = vector.broadcast %broadcast_in_dim3A_336 : i32 to vector<16xi32>
            %gather3A_338 = tpu.vector_load_idx %arg12[%broadcast_in_dim3A_337, %and3A_335] masked %and3A_332 : memref<8x4096xf32, #tpu.memory_space<vmem>>[vector<16xi32>, vector<16xi32>], vector<16xf32>, vector<16xi1>
            tpu.vector_store_idx %arg7[%broadcast_in_dim3A_337, %gather3A_323], %gather3A_338 masked %and3A_332 : memref<8x4096xf32, #tpu.memory_space<vmem>>[vector<16xi32>, vector<16xi32>], vector<16xf32>, vector<16xi1>
            %broadcast_in_dim3A_339 = arith.constant 1 : i32
            %broadcast_in_dim3A_340 = vector.broadcast %broadcast_in_dim3A_339 : i32 to vector<16xi32>
            %gather3A_341 = tpu.vector_load_idx %arg12[%broadcast_in_dim3A_340, %and3A_335] masked %and3A_332 : memref<8x4096xf32, #tpu.memory_space<vmem>>[vector<16xi32>, vector<16xi32>], vector<16xf32>, vector<16xi1>
            tpu.vector_store_idx %arg7[%broadcast_in_dim3A_340, %gather3A_323], %gather3A_341 masked %and3A_332 : memref<8x4096xf32, #tpu.memory_space<vmem>>[vector<16xi32>, vector<16xi32>], vector<16xf32>, vector<16xi1>
            %broadcast_in_dim3A_342 = arith.constant 2 : i32
            %broadcast_in_dim3A_343 = vector.broadcast %broadcast_in_dim3A_342 : i32 to vector<16xi32>
            %gather3A_344 = tpu.vector_load_idx %arg12[%broadcast_in_dim3A_343, %and3A_335] masked %and3A_332 : memref<8x4096xf32, #tpu.memory_space<vmem>>[vector<16xi32>, vector<16xi32>], vector<16xf32>, vector<16xi1>
            tpu.vector_store_idx %arg7[%broadcast_in_dim3A_343, %gather3A_323], %gather3A_344 masked %and3A_332 : memref<8x4096xf32, #tpu.memory_space<vmem>>[vector<16xi32>, vector<16xi32>], vector<16xf32>, vector<16xi1>
            %broadcast_in_dim3A_345 = arith.constant 3 : i32
            %broadcast_in_dim3A_346 = vector.broadcast %broadcast_in_dim3A_345 : i32 to vector<16xi32>
            %gather3A_347 = tpu.vector_load_idx %arg12[%broadcast_in_dim3A_346, %and3A_335] masked %and3A_332 : memref<8x4096xf32, #tpu.memory_space<vmem>>[vector<16xi32>, vector<16xi32>], vector<16xf32>, vector<16xi1>
            tpu.vector_store_idx %arg7[%broadcast_in_dim3A_346, %gather3A_323], %gather3A_347 masked %and3A_332 : memref<8x4096xf32, #tpu.memory_space<vmem>>[vector<16xi32>, vector<16xi32>], vector<16xf32>, vector<16xi1>
            %broadcast_in_dim3A_348 = arith.constant 4 : i32
            %broadcast_in_dim3A_349 = vector.broadcast %broadcast_in_dim3A_348 : i32 to vector<16xi32>
            %gather3A_350 = tpu.vector_load_idx %arg12[%broadcast_in_dim3A_349, %and3A_335] masked %and3A_332 : memref<8x4096xf32, #tpu.memory_space<vmem>>[vector<16xi32>, vector<16xi32>], vector<16xf32>, vector<16xi1>
            tpu.vector_store_idx %arg7[%broadcast_in_dim3A_349, %gather3A_323], %gather3A_350 masked %and3A_332 : memref<8x4096xf32, #tpu.memory_space<vmem>>[vector<16xi32>, vector<16xi32>], vector<16xf32>, vector<16xi1>
            %broadcast_in_dim3A_351 = arith.constant 5 : i32
            %broadcast_in_dim3A_352 = vector.broadcast %broadcast_in_dim3A_351 : i32 to vector<16xi32>
            %gather3A_353 = tpu.vector_load_idx %arg12[%broadcast_in_dim3A_352, %and3A_335] masked %and3A_332 : memref<8x4096xf32, #tpu.memory_space<vmem>>[vector<16xi32>, vector<16xi32>], vector<16xf32>, vector<16xi1>
            tpu.vector_store_idx %arg7[%broadcast_in_dim3A_352, %gather3A_323], %gather3A_353 masked %and3A_332 : memref<8x4096xf32, #tpu.memory_space<vmem>>[vector<16xi32>, vector<16xi32>], vector<16xf32>, vector<16xi1>
            %broadcast_in_dim3A_354 = arith.constant 6 : i32
            %broadcast_in_dim3A_355 = vector.broadcast %broadcast_in_dim3A_354 : i32 to vector<16xi32>
            %gather3A_356 = tpu.vector_load_idx %arg12[%broadcast_in_dim3A_355, %and3A_335] masked %and3A_332 : memref<8x4096xf32, #tpu.memory_space<vmem>>[vector<16xi32>, vector<16xi32>], vector<16xf32>, vector<16xi1>
            tpu.vector_store_idx %arg7[%broadcast_in_dim3A_355, %gather3A_323], %gather3A_356 masked %and3A_332 : memref<8x4096xf32, #tpu.memory_space<vmem>>[vector<16xi32>, vector<16xi32>], vector<16xf32>, vector<16xi1>
            %broadcast_in_dim3A_357 = arith.constant 7 : i32
            %broadcast_in_dim3A_358 = vector.broadcast %broadcast_in_dim3A_357 : i32 to vector<16xi32>
            %gather3A_359 = tpu.vector_load_idx %arg12[%broadcast_in_dim3A_358, %and3A_335] masked %and3A_332 : memref<8x4096xf32, #tpu.memory_space<vmem>>[vector<16xi32>, vector<16xi32>], vector<16xf32>, vector<16xi1>
            tpu.vector_store_idx %arg7[%broadcast_in_dim3A_358, %gather3A_323], %gather3A_359 masked %and3A_332 : memref<8x4096xf32, #tpu.memory_space<vmem>>[vector<16xi32>, vector<16xi32>], vector<16xf32>, vector<16xi1>
          }
          %while3A_270 = arith.constant 1 : i32
          scf.for %while3A_315 = %while3A_268 to %while3A_264 step %while3A_270  : i32 {
            %mul3A_316 = arith.constant 16 : i32
            %mul3A_317 = arith.muli %while3A_315, %mul3A_316 : i32
            %add3A_318 = arith.addi %get3A_252, %mul3A_317 : i32
            %add3A_319 = vector.broadcast %add3A_318 : i32 to vector<16xi32>
            %add3A_320 = arith.addi %add3A_319, %iota3A : vector<16xi32>
            %lt3A_321 = vector.broadcast %get3A_256 : i32 to vector<16xi32>
            %lt3A_322 = arith.cmpi slt, %add3A_320, %lt3A_321 : vector<16xi32>
            %gather3A = tpu.vector_load_idx %arg8[%add3A_320] masked %lt3A_322 : memref<4160xi32, #tpu.memory_space<vmem>>[vector<16xi32>], vector<16xi32>, vector<16xi1>
            %gather3A_323 = tpu.vector_load_idx %arg9[%add3A_320] masked %lt3A_322 : memref<4160xi32, #tpu.memory_space<vmem>>[vector<16xi32>], vector<16xi32>, vector<16xi1>
            %shift_right_logical3A_324 = arith.constant 12 : i32
            %shift_right_logical3A_325 = vector.broadcast %shift_right_logical3A_324 : i32 to vector<16xi32>
            %shift_right_logical3A_326 = arith.shrui %gather3A, %shift_right_logical3A_325 : vector<16xi32>
            %eq3A = vector.broadcast %add3A_244 : i32 to vector<16xi32>
            %eq3A_327 = arith.cmpi eq, %shift_right_logical3A_326, %eq3A : vector<16xi32>
            %and3A_328 = arith.andi %lt3A_322, %eq3A_327 : vector<16xi1>
            %lt3A_329 = arith.constant 99968 : i32
            %lt3A_330 = vector.broadcast %lt3A_329 : i32 to vector<16xi32>
            %lt3A_331 = arith.cmpi slt, %gather3A, %lt3A_330 : vector<16xi32>
            %and3A_332 = arith.andi %and3A_328, %lt3A_331 : vector<16xi1>
            %and3A_333 = arith.constant 4095 : i32
            %and3A_334 = vector.broadcast %and3A_333 : i32 to vector<16xi32>
            %and3A_335 = arith.andi %gather3A, %and3A_334 : vector<16xi32>
            %broadcast_in_dim3A_336 = arith.constant 0 : i32
            %broadcast_in_dim3A_337 = vector.broadcast %broadcast_in_dim3A_336 : i32 to vector<16xi32>
            %gather3A_338 = tpu.vector_load_idx %arg12[%broadcast_in_dim3A_337, %and3A_335] masked %and3A_332 : memref<8x4096xf32, #tpu.memory_space<vmem>>[vector<16xi32>, vector<16xi32>], vector<16xf32>, vector<16xi1>
            tpu.vector_store_idx %arg7[%broadcast_in_dim3A_337, %gather3A_323], %gather3A_338 masked %and3A_332 : memref<8x4096xf32, #tpu.memory_space<vmem>>[vector<16xi32>, vector<16xi32>], vector<16xf32>, vector<16xi1>
            %broadcast_in_dim3A_339 = arith.constant 1 : i32
            %broadcast_in_dim3A_340 = vector.broadcast %broadcast_in_dim3A_339 : i32 to vector<16xi32>
            %gather3A_341 = tpu.vector_load_idx %arg12[%broadcast_in_dim3A_340, %and3A_335] masked %and3A_332 : memref<8x4096xf32, #tpu.memory_space<vmem>>[vector<16xi32>, vector<16xi32>], vector<16xf32>, vector<16xi1>
            tpu.vector_store_idx %arg7[%broadcast_in_dim3A_340, %gather3A_323], %gather3A_341 masked %and3A_332 : memref<8x4096xf32, #tpu.memory_space<vmem>>[vector<16xi32>, vector<16xi32>], vector<16xf32>, vector<16xi1>
            %broadcast_in_dim3A_342 = arith.constant 2 : i32
            %broadcast_in_dim3A_343 = vector.broadcast %broadcast_in_dim3A_342 : i32 to vector<16xi32>
            %gather3A_344 = tpu.vector_load_idx %arg12[%broadcast_in_dim3A_343, %and3A_335] masked %and3A_332 : memref<8x4096xf32, #tpu.memory_space<vmem>>[vector<16xi32>, vector<16xi32>], vector<16xf32>, vector<16xi1>
            tpu.vector_store_idx %arg7[%broadcast_in_dim3A_343, %gather3A_323], %gather3A_344 masked %and3A_332 : memref<8x4096xf32, #tpu.memory_space<vmem>>[vector<16xi32>, vector<16xi32>], vector<16xf32>, vector<16xi1>
            %broadcast_in_dim3A_345 = arith.constant 3 : i32
            %broadcast_in_dim3A_346 = vector.broadcast %broadcast_in_dim3A_345 : i32 to vector<16xi32>
            %gather3A_347 = tpu.vector_load_idx %arg12[%broadcast_in_dim3A_346, %and3A_335] masked %and3A_332 : memref<8x4096xf32, #tpu.memory_space<vmem>>[vector<16xi32>, vector<16xi32>], vector<16xf32>, vector<16xi1>
            tpu.vector_store_idx %arg7[%broadcast_in_dim3A_346, %gather3A_323], %gather3A_347 masked %and3A_332 : memref<8x4096xf32, #tpu.memory_space<vmem>>[vector<16xi32>, vector<16xi32>], vector<16xf32>, vector<16xi1>
            %broadcast_in_dim3A_348 = arith.constant 4 : i32
            %broadcast_in_dim3A_349 = vector.broadcast %broadcast_in_dim3A_348 : i32 to vector<16xi32>
            %gather3A_350 = tpu.vector_load_idx %arg12[%broadcast_in_dim3A_349, %and3A_335] masked %and3A_332 : memref<8x4096xf32, #tpu.memory_space<vmem>>[vector<16xi32>, vector<16xi32>], vector<16xf32>, vector<16xi1>
            tpu.vector_store_idx %arg7[%broadcast_in_dim3A_349, %gather3A_323], %gather3A_350 masked %and3A_332 : memref<8x4096xf32, #tpu.memory_space<vmem>>[vector<16xi32>, vector<16xi32>], vector<16xf32>, vector<16xi1>
            %broadcast_in_dim3A_351 = arith.constant 5 : i32
            %broadcast_in_dim3A_352 = vector.broadcast %broadcast_in_dim3A_351 : i32 to vector<16xi32>
            %gather3A_353 = tpu.vector_load_idx %arg12[%broadcast_in_dim3A_352, %and3A_335] masked %and3A_332 : memref<8x4096xf32, #tpu.memory_space<vmem>>[vector<16xi32>, vector<16xi32>], vector<16xf32>, vector<16xi1>
            tpu.vector_store_idx %arg7[%broadcast_in_dim3A_352, %gather3A_323], %gather3A_353 masked %and3A_332 : memref<8x4096xf32, #tpu.memory_space<vmem>>[vector<16xi32>, vector<16xi32>], vector<16xf32>, vector<16xi1>
            %broadcast_in_dim3A_354 = arith.constant 6 : i32
            %broadcast_in_dim3A_355 = vector.broadcast %broadcast_in_dim3A_354 : i32 to vector<16xi32>
            %gather3A_356 = tpu.vector_load_idx %arg12[%broadcast_in_dim3A_355, %and3A_335] masked %and3A_332 : memref<8x4096xf32, #tpu.memory_space<vmem>>[vector<16xi32>, vector<16xi32>], vector<16xf32>, vector<16xi1>
            tpu.vector_store_idx %arg7[%broadcast_in_dim3A_355, %gather3A_323], %gather3A_356 masked %and3A_332 : memref<8x4096xf32, #tpu.memory_space<vmem>>[vector<16xi32>, vector<16xi32>], vector<16xf32>, vector<16xi1>
            %broadcast_in_dim3A_357 = arith.constant 7 : i32
            %broadcast_in_dim3A_358 = vector.broadcast %broadcast_in_dim3A_357 : i32 to vector<16xi32>
            %gather3A_359 = tpu.vector_load_idx %arg12[%broadcast_in_dim3A_358, %and3A_335] masked %and3A_332 : memref<8x4096xf32, #tpu.memory_space<vmem>>[vector<16xi32>, vector<16xi32>], vector<16xf32>, vector<16xi1>
            tpu.vector_store_idx %arg7[%broadcast_in_dim3A_358, %gather3A_323], %gather3A_359 masked %and3A_332 : memref<8x4096xf32, #tpu.memory_space<vmem>>[vector<16xi32>, vector<16xi32>], vector<16xf32>, vector<16xi1>
          }
          %add3A_271 = arith.constant 2 : i32
          %add3A_272 = arith.addi %add3A_244, %add3A_271 : i32
          %lt3A_273 = arith.constant 24 : i32
          %lt3A_274 = arith.cmpi slt, %add3A_272, %lt3A_273 : i32
          %convert_element_type3A_275 = arith.extui %lt3A_274 : i1 to i32
          %cond3A_276 = arith.constant 0 : i32
          %cond3A_277 = arith.cmpi ne, %convert_element_type3A_275, %cond3A_276 : i32
          scf.if %cond3A_277 {
            %add3A_315 = arith.constant 2 : i32
            %add3A_316 = arith.addi %add3A_244, %add3A_315 : i32
            %mul3A_317 = arith.constant 4096 : i32
            %mul3A_318 = arith.muli %add3A_316, %mul3A_317 : i32
            %dma_start3A_319 = tpu.memref_slice %arg3[%multiple_of3A, %mul3A_318] : memref<832x100001xf32, #tpu.memory_space<hbm>> -> memref<8x4096xf32, #tpu.memory_space<hbm>>
            %dma_start3A_320 = tpu.memref_slice %arg3[%multiple_of3A, %mul3A_318] : memref<832x100001xf32, #tpu.memory_space<hbm>> -> memref<8x4096xf32, #tpu.memory_space<hbm>>
            tpu.enqueue_dma source(%dma_start3A_320 : memref<8x4096xf32, #tpu.memory_space<hbm>>) target(%arg12 : memref<8x4096xf32, #tpu.memory_space<vmem>>) target_semaphore(%arg15 : memref<!tpu.dma_semaphore, #tpu.memory_space<semaphore_mem>>)
          } else {
          }
          %mul3A_278 = arith.constant 2 : i32
          %mul3A_279 = arith.muli %scan3A_240, %mul3A_278 : i32
          %add3A_280 = arith.constant 1 : i32
          %add3A_281 = arith.addi %mul3A_279, %add3A_280 : i32
          %mul3A_282 = arith.constant 4096 : i32
          %mul3A_283 = arith.muli %add3A_281, %mul3A_282 : i32
          %dma_wait3A_284 = tpu.memref_slice %arg3[%multiple_of3A, %mul3A_283] : memref<832x100001xf32, #tpu.memory_space<hbm>> -> memref<8x4096xf32, #tpu.memory_space<hbm>>
          %dma_wait3A_285 = tpu.memref_slice %arg3[%multiple_of3A, %mul3A_283] : memref<832x100001xf32, #tpu.memory_space<hbm>> -> memref<8x4096xf32, #tpu.memory_space<hbm>>
          tpu.wait_dma2 semaphore(%arg16 : memref<!tpu.dma_semaphore, #tpu.memory_space<semaphore_mem>>) src(%dma_wait3A_285 : memref<8x4096xf32, #tpu.memory_space<hbm>>) dst(%arg13 : memref<8x4096xf32, #tpu.memory_space<vmem>>)
          %shift_right_logical3A_286 = arith.constant 2 : i32
          %shift_right_logical3A_287 = arith.shrui %add3A_281, %shift_right_logical3A_286 : i32
          %get3A_288 = arith.index_cast %shift_right_logical3A_287 : i32 to index
          %get3A_289 = memref.load %arg11[%get3A_288] : memref<16xi32, #tpu.memory_space<smem>>
          %add3A_290 = arith.constant 1 : i32
          %add3A_291 = arith.addi %shift_right_logical3A_287, %add3A_290 : i32
          %get3A_292 = arith.index_cast %add3A_291 : i32 to index
          %get3A_293 = memref.load %arg11[%get3A_292] : memref<16xi32, #tpu.memory_space<smem>>
          %sub3A_294 = arith.subi %get3A_293, %get3A_289 : i32
          %add3A_295 = arith.constant 15 : i32
          %add3A_296 = arith.addi %sub3A_294, %add3A_295 : i32
          %shift_right_logical3A_297 = arith.constant 4 : i32
          %shift_right_logical3A_298 = arith.shrui %add3A_296, %shift_right_logical3A_297 : i32
          %while3A_299 = arith.constant 0 : i32
          %while3A_300 = arith.subi %shift_right_logical3A_298, %while3A_299 : i32
          %while3A_301 = arith.addi %while3A_299, %while3A_300 : i32
          %while3A_302 = arith.constant 1 : i32
          %while3A_303 = arith.divsi %while3A_300, %while3A_302 : i32
          %while3A_304 = arith.muli %while3A_303, %while3A_302 : i32
          %while3A_305 = arith.addi %while3A_299, %while3A_304 : i32
          %while3A_306 = arith.constant 1 : i32
          scf.for %while3A_315 = %while3A_299 to %while3A_305 step %while3A_306  : i32 {
            %mul3A_316 = arith.constant 16 : i32
            %mul3A_317 = arith.muli %while3A_315, %mul3A_316 : i32
            %add3A_318 = arith.addi %get3A_289, %mul3A_317 : i32
            %add3A_319 = vector.broadcast %add3A_318 : i32 to vector<16xi32>
            %add3A_320 = arith.addi %add3A_319, %iota3A : vector<16xi32>
            %lt3A_321 = vector.broadcast %get3A_293 : i32 to vector<16xi32>
            %lt3A_322 = arith.cmpi slt, %add3A_320, %lt3A_321 : vector<16xi32>
            %gather3A = tpu.vector_load_idx %arg8[%add3A_320] masked %lt3A_322 : memref<4160xi32, #tpu.memory_space<vmem>>[vector<16xi32>], vector<16xi32>, vector<16xi1>
            %gather3A_323 = tpu.vector_load_idx %arg9[%add3A_320] masked %lt3A_322 : memref<4160xi32, #tpu.memory_space<vmem>>[vector<16xi32>], vector<16xi32>, vector<16xi1>
            %shift_right_logical3A_324 = arith.constant 12 : i32
            %shift_right_logical3A_325 = vector.broadcast %shift_right_logical3A_324 : i32 to vector<16xi32>
            %shift_right_logical3A_326 = arith.shrui %gather3A, %shift_right_logical3A_325 : vector<16xi32>
            %eq3A = vector.broadcast %add3A_281 : i32 to vector<16xi32>
            %eq3A_327 = arith.cmpi eq, %shift_right_logical3A_326, %eq3A : vector<16xi32>
            %and3A_328 = arith.andi %lt3A_322, %eq3A_327 : vector<16xi1>
            %lt3A_329 = arith.constant 99968 : i32
            %lt3A_330 = vector.broadcast %lt3A_329 : i32 to vector<16xi32>
            %lt3A_331 = arith.cmpi slt, %gather3A, %lt3A_330 : vector<16xi32>
            %and3A_332 = arith.andi %and3A_328, %lt3A_331 : vector<16xi1>
            %and3A_333 = arith.constant 4095 : i32
            %and3A_334 = vector.broadcast %and3A_333 : i32 to vector<16xi32>
            %and3A_335 = arith.andi %gather3A, %and3A_334 : vector<16xi32>
            %broadcast_in_dim3A_336 = arith.constant 0 : i32
            %broadcast_in_dim3A_337 = vector.broadcast %broadcast_in_dim3A_336 : i32 to vector<16xi32>
            %gather3A_338 = tpu.vector_load_idx %arg13[%broadcast_in_dim3A_337, %and3A_335] masked %and3A_332 : memref<8x4096xf32, #tpu.memory_space<vmem>>[vector<16xi32>, vector<16xi32>], vector<16xf32>, vector<16xi1>
            tpu.vector_store_idx %arg7[%broadcast_in_dim3A_337, %gather3A_323], %gather3A_338 masked %and3A_332 : memref<8x4096xf32, #tpu.memory_space<vmem>>[vector<16xi32>, vector<16xi32>], vector<16xf32>, vector<16xi1>
            %broadcast_in_dim3A_339 = arith.constant 1 : i32
            %broadcast_in_dim3A_340 = vector.broadcast %broadcast_in_dim3A_339 : i32 to vector<16xi32>
            %gather3A_341 = tpu.vector_load_idx %arg13[%broadcast_in_dim3A_340, %and3A_335] masked %and3A_332 : memref<8x4096xf32, #tpu.memory_space<vmem>>[vector<16xi32>, vector<16xi32>], vector<16xf32>, vector<16xi1>
            tpu.vector_store_idx %arg7[%broadcast_in_dim3A_340, %gather3A_323], %gather3A_341 masked %and3A_332 : memref<8x4096xf32, #tpu.memory_space<vmem>>[vector<16xi32>, vector<16xi32>], vector<16xf32>, vector<16xi1>
            %broadcast_in_dim3A_342 = arith.constant 2 : i32
            %broadcast_in_dim3A_343 = vector.broadcast %broadcast_in_dim3A_342 : i32 to vector<16xi32>
            %gather3A_344 = tpu.vector_load_idx %arg13[%broadcast_in_dim3A_343, %and3A_335] masked %and3A_332 : memref<8x4096xf32, #tpu.memory_space<vmem>>[vector<16xi32>, vector<16xi32>], vector<16xf32>, vector<16xi1>
            tpu.vector_store_idx %arg7[%broadcast_in_dim3A_343, %gather3A_323], %gather3A_344 masked %and3A_332 : memref<8x4096xf32, #tpu.memory_space<vmem>>[vector<16xi32>, vector<16xi32>], vector<16xf32>, vector<16xi1>
            %broadcast_in_dim3A_345 = arith.constant 3 : i32
            %broadcast_in_dim3A_346 = vector.broadcast %broadcast_in_dim3A_345 : i32 to vector<16xi32>
            %gather3A_347 = tpu.vector_load_idx %arg13[%broadcast_in_dim3A_346, %and3A_335] masked %and3A_332 : memref<8x4096xf32, #tpu.memory_space<vmem>>[vector<16xi32>, vector<16xi32>], vector<16xf32>, vector<16xi1>
            tpu.vector_store_idx %arg7[%broadcast_in_dim3A_346, %gather3A_323], %gather3A_347 masked %and3A_332 : memref<8x4096xf32, #tpu.memory_space<vmem>>[vector<16xi32>, vector<16xi32>], vector<16xf32>, vector<16xi1>
            %broadcast_in_dim3A_348 = arith.constant 4 : i32
            %broadcast_in_dim3A_349 = vector.broadcast %broadcast_in_dim3A_348 : i32 to vector<16xi32>
            %gather3A_350 = tpu.vector_load_idx %arg13[%broadcast_in_dim3A_349, %and3A_335] masked %and3A_332 : memref<8x4096xf32, #tpu.memory_space<vmem>>[vector<16xi32>, vector<16xi32>], vector<16xf32>, vector<16xi1>
            tpu.vector_store_idx %arg7[%broadcast_in_dim3A_349, %gather3A_323], %gather3A_350 masked %and3A_332 : memref<8x4096xf32, #tpu.memory_space<vmem>>[vector<16xi32>, vector<16xi32>], vector<16xf32>, vector<16xi1>
            %broadcast_in_dim3A_351 = arith.constant 5 : i32
            %broadcast_in_dim3A_352 = vector.broadcast %broadcast_in_dim3A_351 : i32 to vector<16xi32>
            %gather3A_353 = tpu.vector_load_idx %arg13[%broadcast_in_dim3A_352, %and3A_335] masked %and3A_332 : memref<8x4096xf32, #tpu.memory_space<vmem>>[vector<16xi32>, vector<16xi32>], vector<16xf32>, vector<16xi1>
            tpu.vector_store_idx %arg7[%broadcast_in_dim3A_352, %gather3A_323], %gather3A_353 masked %and3A_332 : memref<8x4096xf32, #tpu.memory_space<vmem>>[vector<16xi32>, vector<16xi32>], vector<16xf32>, vector<16xi1>
            %broadcast_in_dim3A_354 = arith.constant 6 : i32
            %broadcast_in_dim3A_355 = vector.broadcast %broadcast_in_dim3A_354 : i32 to vector<16xi32>
            %gather3A_356 = tpu.vector_load_idx %arg13[%broadcast_in_dim3A_355, %and3A_335] masked %and3A_332 : memref<8x4096xf32, #tpu.memory_space<vmem>>[vector<16xi32>, vector<16xi32>], vector<16xf32>, vector<16xi1>
            tpu.vector_store_idx %arg7[%broadcast_in_dim3A_355, %gather3A_323], %gather3A_356 masked %and3A_332 : memref<8x4096xf32, #tpu.memory_space<vmem>>[vector<16xi32>, vector<16xi32>], vector<16xf32>, vector<16xi1>
            %broadcast_in_dim3A_357 = arith.constant 7 : i32
            %broadcast_in_dim3A_358 = vector.broadcast %broadcast_in_dim3A_357 : i32 to vector<16xi32>
            %gather3A_359 = tpu.vector_load_idx %arg13[%broadcast_in_dim3A_358, %and3A_335] masked %and3A_332 : memref<8x4096xf32, #tpu.memory_space<vmem>>[vector<16xi32>, vector<16xi32>], vector<16xf32>, vector<16xi1>
            tpu.vector_store_idx %arg7[%broadcast_in_dim3A_358, %gather3A_323], %gather3A_359 masked %and3A_332 : memref<8x4096xf32, #tpu.memory_space<vmem>>[vector<16xi32>, vector<16xi32>], vector<16xf32>, vector<16xi1>
          }
          %while3A_307 = arith.constant 1 : i32
          scf.for %while3A_315 = %while3A_305 to %while3A_301 step %while3A_307  : i32 {
            %mul3A_316 = arith.constant 16 : i32
            %mul3A_317 = arith.muli %while3A_315, %mul3A_316 : i32
            %add3A_318 = arith.addi %get3A_289, %mul3A_317 : i32
            %add3A_319 = vector.broadcast %add3A_318 : i32 to vector<16xi32>
            %add3A_320 = arith.addi %add3A_319, %iota3A : vector<16xi32>
            %lt3A_321 = vector.broadcast %get3A_293 : i32 to vector<16xi32>
            %lt3A_322 = arith.cmpi slt, %add3A_320, %lt3A_321 : vector<16xi32>
            %gather3A = tpu.vector_load_idx %arg8[%add3A_320] masked %lt3A_322 : memref<4160xi32, #tpu.memory_space<vmem>>[vector<16xi32>], vector<16xi32>, vector<16xi1>
            %gather3A_323 = tpu.vector_load_idx %arg9[%add3A_320] masked %lt3A_322 : memref<4160xi32, #tpu.memory_space<vmem>>[vector<16xi32>], vector<16xi32>, vector<16xi1>
            %shift_right_logical3A_324 = arith.constant 12 : i32
            %shift_right_logical3A_325 = vector.broadcast %shift_right_logical3A_324 : i32 to vector<16xi32>
            %shift_right_logical3A_326 = arith.shrui %gather3A, %shift_right_logical3A_325 : vector<16xi32>
            %eq3A = vector.broadcast %add3A_281 : i32 to vector<16xi32>
            %eq3A_327 = arith.cmpi eq, %shift_right_logical3A_326, %eq3A : vector<16xi32>
            %and3A_328 = arith.andi %lt3A_322, %eq3A_327 : vector<16xi1>
            %lt3A_329 = arith.constant 99968 : i32
            %lt3A_330 = vector.broadcast %lt3A_329 : i32 to vector<16xi32>
            %lt3A_331 = arith.cmpi slt, %gather3A, %lt3A_330 : vector<16xi32>
            %and3A_332 = arith.andi %and3A_328, %lt3A_331 : vector<16xi1>
            %and3A_333 = arith.constant 4095 : i32
            %and3A_334 = vector.broadcast %and3A_333 : i32 to vector<16xi32>
            %and3A_335 = arith.andi %gather3A, %and3A_334 : vector<16xi32>
            %broadcast_in_dim3A_336 = arith.constant 0 : i32
            %broadcast_in_dim3A_337 = vector.broadcast %broadcast_in_dim3A_336 : i32 to vector<16xi32>
            %gather3A_338 = tpu.vector_load_idx %arg13[%broadcast_in_dim3A_337, %and3A_335] masked %and3A_332 : memref<8x4096xf32, #tpu.memory_space<vmem>>[vector<16xi32>, vector<16xi32>], vector<16xf32>, vector<16xi1>
            tpu.vector_store_idx %arg7[%broadcast_in_dim3A_337, %gather3A_323], %gather3A_338 masked %and3A_332 : memref<8x4096xf32, #tpu.memory_space<vmem>>[vector<16xi32>, vector<16xi32>], vector<16xf32>, vector<16xi1>
            %broadcast_in_dim3A_339 = arith.constant 1 : i32
            %broadcast_in_dim3A_340 = vector.broadcast %broadcast_in_dim3A_339 : i32 to vector<16xi32>
            %gather3A_341 = tpu.vector_load_idx %arg13[%broadcast_in_dim3A_340, %and3A_335] masked %and3A_332 : memref<8x4096xf32, #tpu.memory_space<vmem>>[vector<16xi32>, vector<16xi32>], vector<16xf32>, vector<16xi1>
            tpu.vector_store_idx %arg7[%broadcast_in_dim3A_340, %gather3A_323], %gather3A_341 masked %and3A_332 : memref<8x4096xf32, #tpu.memory_space<vmem>>[vector<16xi32>, vector<16xi32>], vector<16xf32>, vector<16xi1>
            %broadcast_in_dim3A_342 = arith.constant 2 : i32
            %broadcast_in_dim3A_343 = vector.broadcast %broadcast_in_dim3A_342 : i32 to vector<16xi32>
            %gather3A_344 = tpu.vector_load_idx %arg13[%broadcast_in_dim3A_343, %and3A_335] masked %and3A_332 : memref<8x4096xf32, #tpu.memory_space<vmem>>[vector<16xi32>, vector<16xi32>], vector<16xf32>, vector<16xi1>
            tpu.vector_store_idx %arg7[%broadcast_in_dim3A_343, %gather3A_323], %gather3A_344 masked %and3A_332 : memref<8x4096xf32, #tpu.memory_space<vmem>>[vector<16xi32>, vector<16xi32>], vector<16xf32>, vector<16xi1>
            %broadcast_in_dim3A_345 = arith.constant 3 : i32
            %broadcast_in_dim3A_346 = vector.broadcast %broadcast_in_dim3A_345 : i32 to vector<16xi32>
            %gather3A_347 = tpu.vector_load_idx %arg13[%broadcast_in_dim3A_346, %and3A_335] masked %and3A_332 : memref<8x4096xf32, #tpu.memory_space<vmem>>[vector<16xi32>, vector<16xi32>], vector<16xf32>, vector<16xi1>
            tpu.vector_store_idx %arg7[%broadcast_in_dim3A_346, %gather3A_323], %gather3A_347 masked %and3A_332 : memref<8x4096xf32, #tpu.memory_space<vmem>>[vector<16xi32>, vector<16xi32>], vector<16xf32>, vector<16xi1>
            %broadcast_in_dim3A_348 = arith.constant 4 : i32
            %broadcast_in_dim3A_349 = vector.broadcast %broadcast_in_dim3A_348 : i32 to vector<16xi32>
            %gather3A_350 = tpu.vector_load_idx %arg13[%broadcast_in_dim3A_349, %and3A_335] masked %and3A_332 : memref<8x4096xf32, #tpu.memory_space<vmem>>[vector<16xi32>, vector<16xi32>], vector<16xf32>, vector<16xi1>
            tpu.vector_store_idx %arg7[%broadcast_in_dim3A_349, %gather3A_323], %gather3A_350 masked %and3A_332 : memref<8x4096xf32, #tpu.memory_space<vmem>>[vector<16xi32>, vector<16xi32>], vector<16xf32>, vector<16xi1>
            %broadcast_in_dim3A_351 = arith.constant 5 : i32
            %broadcast_in_dim3A_352 = vector.broadcast %broadcast_in_dim3A_351 : i32 to vector<16xi32>
            %gather3A_353 = tpu.vector_load_idx %arg13[%broadcast_in_dim3A_352, %and3A_335] masked %and3A_332 : memref<8x4096xf32, #tpu.memory_space<vmem>>[vector<16xi32>, vector<16xi32>], vector<16xf32>, vector<16xi1>
            tpu.vector_store_idx %arg7[%broadcast_in_dim3A_352, %gather3A_323], %gather3A_353 masked %and3A_332 : memref<8x4096xf32, #tpu.memory_space<vmem>>[vector<16xi32>, vector<16xi32>], vector<16xf32>, vector<16xi1>
            %broadcast_in_dim3A_354 = arith.constant 6 : i32
            %broadcast_in_dim3A_355 = vector.broadcast %broadcast_in_dim3A_354 : i32 to vector<16xi32>
            %gather3A_356 = tpu.vector_load_idx %arg13[%broadcast_in_dim3A_355, %and3A_335] masked %and3A_332 : memref<8x4096xf32, #tpu.memory_space<vmem>>[vector<16xi32>, vector<16xi32>], vector<16xf32>, vector<16xi1>
            tpu.vector_store_idx %arg7[%broadcast_in_dim3A_355, %gather3A_323], %gather3A_356 masked %and3A_332 : memref<8x4096xf32, #tpu.memory_space<vmem>>[vector<16xi32>, vector<16xi32>], vector<16xf32>, vector<16xi1>
            %broadcast_in_dim3A_357 = arith.constant 7 : i32
            %broadcast_in_dim3A_358 = vector.broadcast %broadcast_in_dim3A_357 : i32 to vector<16xi32>
            %gather3A_359 = tpu.vector_load_idx %arg13[%broadcast_in_dim3A_358, %and3A_335] masked %and3A_332 : memref<8x4096xf32, #tpu.memory_space<vmem>>[vector<16xi32>, vector<16xi32>], vector<16xf32>, vector<16xi1>
            tpu.vector_store_idx %arg7[%broadcast_in_dim3A_358, %gather3A_323], %gather3A_359 masked %and3A_332 : memref<8x4096xf32, #tpu.memory_space<vmem>>[vector<16xi32>, vector<16xi32>], vector<16xf32>, vector<16xi1>
          }
          %add3A_308 = arith.constant 2 : i32
          %add3A_309 = arith.addi %add3A_281, %add3A_308 : i32
          %lt3A_310 = arith.constant 24 : i32
          %lt3A_311 = arith.cmpi slt, %add3A_309, %lt3A_310 : i32
          %convert_element_type3A_312 = arith.extui %lt3A_311 : i1 to i32
          %cond3A_313 = arith.constant 0 : i32
          %cond3A_314 = arith.cmpi ne, %convert_element_type3A_312, %cond3A_313 : i32
          scf.if %cond3A_314 {
            %add3A_315 = arith.constant 2 : i32
            %add3A_316 = arith.addi %add3A_281, %add3A_315 : i32
            %mul3A_317 = arith.constant 4096 : i32
            %mul3A_318 = arith.muli %add3A_316, %mul3A_317 : i32
            %dma_start3A_319 = tpu.memref_slice %arg3[%multiple_of3A, %mul3A_318] : memref<832x100001xf32, #tpu.memory_space<hbm>> -> memref<8x4096xf32, #tpu.memory_space<hbm>>
            %dma_start3A_320 = tpu.memref_slice %arg3[%multiple_of3A, %mul3A_318] : memref<832x100001xf32, #tpu.memory_space<hbm>> -> memref<8x4096xf32, #tpu.memory_space<hbm>>
            tpu.enqueue_dma source(%dma_start3A_320 : memref<8x4096xf32, #tpu.memory_space<hbm>>) target(%arg13 : memref<8x4096xf32, #tpu.memory_space<vmem>>) target_semaphore(%arg16 : memref<!tpu.dma_semaphore, #tpu.memory_space<semaphore_mem>>)
          } else {
          }
        }
        %scan3A_170 = arith.constant 12 : i32
        %dma_start3A_171 = arith.constant 0 : i32
        %dma_start3A_172 = arith.constant 0 : i32
        %dma_start3A_173 = tpu.memref_slice %arg12[%dma_start3A_171, %dma_start3A_172] : memref<8x4096xf32, #tpu.memory_space<vmem>> -> memref<8x1664xf32, #tpu.memory_space<vmem>>
        %dma_start3A_174 = arith.constant 98304 : i32
        %dma_start3A_175 = tpu.memref_slice %arg3[%multiple_of3A, %dma_start3A_174] : memref<832x100001xf32, #tpu.memory_space<hbm>> -> memref<8x1664xf32, #tpu.memory_space<hbm>>
        %dma_start3A_176 = arith.constant 0 : i32
        %dma_start3A_177 = arith.constant 0 : i32
        %dma_start3A_178 = tpu.memref_slice %arg12[%dma_start3A_176, %dma_start3A_177] : memref<8x4096xf32, #tpu.memory_space<vmem>> -> memref<8x1664xf32, #tpu.memory_space<vmem>>
        %dma_start3A_179 = arith.constant 98304 : i32
        %dma_start3A_180 = tpu.memref_slice %arg3[%multiple_of3A, %dma_start3A_179] : memref<832x100001xf32, #tpu.memory_space<hbm>> -> memref<8x1664xf32, #tpu.memory_space<hbm>>
        tpu.enqueue_dma source(%dma_start3A_180 : memref<8x1664xf32, #tpu.memory_space<hbm>>) target(%dma_start3A_178 : memref<8x1664xf32, #tpu.memory_space<vmem>>) target_semaphore(%arg15 : memref<!tpu.dma_semaphore, #tpu.memory_space<semaphore_mem>>)
        %dma_wait3A = arith.constant 0 : i32
        %dma_wait3A_181 = arith.constant 0 : i32
        %dma_wait3A_182 = tpu.memref_slice %arg12[%dma_wait3A, %dma_wait3A_181] : memref<8x4096xf32, #tpu.memory_space<vmem>> -> memref<8x1664xf32, #tpu.memory_space<vmem>>
        %dma_wait3A_183 = arith.constant 98304 : i32
        %dma_wait3A_184 = tpu.memref_slice %arg3[%multiple_of3A, %dma_wait3A_183] : memref<832x100001xf32, #tpu.memory_space<hbm>> -> memref<8x1664xf32, #tpu.memory_space<hbm>>
        %dma_wait3A_185 = arith.constant 0 : i32
        %dma_wait3A_186 = arith.constant 0 : i32
        %dma_wait3A_187 = tpu.memref_slice %arg12[%dma_wait3A_185, %dma_wait3A_186] : memref<8x4096xf32, #tpu.memory_space<vmem>> -> memref<8x1664xf32, #tpu.memory_space<vmem>>
        %dma_wait3A_188 = arith.constant 98304 : i32
        %dma_wait3A_189 = tpu.memref_slice %arg3[%multiple_of3A, %dma_wait3A_188] : memref<832x100001xf32, #tpu.memory_space<hbm>> -> memref<8x1664xf32, #tpu.memory_space<hbm>>
        tpu.wait_dma2 semaphore(%arg15 : memref<!tpu.dma_semaphore, #tpu.memory_space<semaphore_mem>>) src(%dma_wait3A_189 : memref<8x1664xf32, #tpu.memory_space<hbm>>) dst(%dma_wait3A_187 : memref<8x1664xf32, #tpu.memory_space<vmem>>)
        %shift_right_logical3A = arith.constant 24 : i32
        %shift_right_logical3A_190 = arith.constant 2 : i32
        %shift_right_logical3A_191 = arith.shrui %shift_right_logical3A, %shift_right_logical3A_190 : i32
        %get3A_192 = arith.index_cast %shift_right_logical3A_191 : i32 to index
        %get3A_193 = memref.load %arg11[%get3A_192] : memref<16xi32, #tpu.memory_space<smem>>
        %add3A_194 = arith.constant 1 : i32
        %add3A_195 = arith.addi %shift_right_logical3A_191, %add3A_194 : i32
        %get3A_196 = arith.index_cast %add3A_195 : i32 to index
        %get3A_197 = memref.load %arg11[%get3A_196] : memref<16xi32, #tpu.memory_space<smem>>
        %sub3A_198 = arith.subi %get3A_197, %get3A_193 : i32
        %add3A_199 = arith.constant 15 : i32
        %add3A_200 = arith.addi %sub3A_198, %add3A_199 : i32
        %shift_right_logical3A_201 = arith.constant 4 : i32
        %shift_right_logical3A_202 = arith.shrui %add3A_200, %shift_right_logical3A_201 : i32
        %while3A = arith.constant 24 : i32
        %while3A_203 = arith.constant 0 : i32
        %while3A_204 = arith.subi %shift_right_logical3A_202, %while3A_203 : i32
        %while3A_205 = arith.addi %while3A_203, %while3A_204 : i32
        %while3A_206 = arith.constant 1 : i32
        %while3A_207 = arith.divsi %while3A_204, %while3A_206 : i32
        %while3A_208 = arith.muli %while3A_207, %while3A_206 : i32
        %while3A_209 = arith.addi %while3A_203, %while3A_208 : i32
        %while3A_210 = arith.constant 1 : i32
        scf.for %while3A_240 = %while3A_203 to %while3A_209 step %while3A_210  : i32 {
          %mul3A_241 = arith.constant 16 : i32
          %mul3A_242 = arith.muli %while3A_240, %mul3A_241 : i32
          %add3A_243 = arith.addi %get3A_193, %mul3A_242 : i32
          %add3A_244 = vector.broadcast %add3A_243 : i32 to vector<16xi32>
          %add3A_245 = arith.addi %add3A_244, %iota3A : vector<16xi32>
          %lt3A_246 = vector.broadcast %get3A_197 : i32 to vector<16xi32>
          %lt3A_247 = arith.cmpi slt, %add3A_245, %lt3A_246 : vector<16xi32>
          %gather3A = tpu.vector_load_idx %arg8[%add3A_245] masked %lt3A_247 : memref<4160xi32, #tpu.memory_space<vmem>>[vector<16xi32>], vector<16xi32>, vector<16xi1>
          %gather3A_248 = tpu.vector_load_idx %arg9[%add3A_245] masked %lt3A_247 : memref<4160xi32, #tpu.memory_space<vmem>>[vector<16xi32>], vector<16xi32>, vector<16xi1>
          %shift_right_logical3A_249 = arith.constant 12 : i32
          %shift_right_logical3A_250 = vector.broadcast %shift_right_logical3A_249 : i32 to vector<16xi32>
          %shift_right_logical3A_251 = arith.shrui %gather3A, %shift_right_logical3A_250 : vector<16xi32>
          %eq3A = vector.broadcast %while3A : i32 to vector<16xi32>
          %eq3A_252 = arith.cmpi eq, %shift_right_logical3A_251, %eq3A : vector<16xi32>
          %and3A_253 = arith.andi %lt3A_247, %eq3A_252 : vector<16xi1>
          %lt3A_254 = arith.constant 99968 : i32
          %lt3A_255 = vector.broadcast %lt3A_254 : i32 to vector<16xi32>
          %lt3A_256 = arith.cmpi slt, %gather3A, %lt3A_255 : vector<16xi32>
          %and3A_257 = arith.andi %and3A_253, %lt3A_256 : vector<16xi1>
          %and3A_258 = arith.constant 4095 : i32
          %and3A_259 = vector.broadcast %and3A_258 : i32 to vector<16xi32>
          %and3A_260 = arith.andi %gather3A, %and3A_259 : vector<16xi32>
          %broadcast_in_dim3A_261 = arith.constant 0 : i32
          %broadcast_in_dim3A_262 = vector.broadcast %broadcast_in_dim3A_261 : i32 to vector<16xi32>
          %gather3A_263 = tpu.vector_load_idx %arg12[%broadcast_in_dim3A_262, %and3A_260] masked %and3A_257 : memref<8x4096xf32, #tpu.memory_space<vmem>>[vector<16xi32>, vector<16xi32>], vector<16xf32>, vector<16xi1>
          tpu.vector_store_idx %arg7[%broadcast_in_dim3A_262, %gather3A_248], %gather3A_263 masked %and3A_257 : memref<8x4096xf32, #tpu.memory_space<vmem>>[vector<16xi32>, vector<16xi32>], vector<16xf32>, vector<16xi1>
          %broadcast_in_dim3A_264 = arith.constant 1 : i32
          %broadcast_in_dim3A_265 = vector.broadcast %broadcast_in_dim3A_264 : i32 to vector<16xi32>
          %gather3A_266 = tpu.vector_load_idx %arg12[%broadcast_in_dim3A_265, %and3A_260] masked %and3A_257 : memref<8x4096xf32, #tpu.memory_space<vmem>>[vector<16xi32>, vector<16xi32>], vector<16xf32>, vector<16xi1>
          tpu.vector_store_idx %arg7[%broadcast_in_dim3A_265, %gather3A_248], %gather3A_266 masked %and3A_257 : memref<8x4096xf32, #tpu.memory_space<vmem>>[vector<16xi32>, vector<16xi32>], vector<16xf32>, vector<16xi1>
          %broadcast_in_dim3A_267 = arith.constant 2 : i32
          %broadcast_in_dim3A_268 = vector.broadcast %broadcast_in_dim3A_267 : i32 to vector<16xi32>
          %gather3A_269 = tpu.vector_load_idx %arg12[%broadcast_in_dim3A_268, %and3A_260] masked %and3A_257 : memref<8x4096xf32, #tpu.memory_space<vmem>>[vector<16xi32>, vector<16xi32>], vector<16xf32>, vector<16xi1>
          tpu.vector_store_idx %arg7[%broadcast_in_dim3A_268, %gather3A_248], %gather3A_269 masked %and3A_257 : memref<8x4096xf32, #tpu.memory_space<vmem>>[vector<16xi32>, vector<16xi32>], vector<16xf32>, vector<16xi1>
          %broadcast_in_dim3A_270 = arith.constant 3 : i32
          %broadcast_in_dim3A_271 = vector.broadcast %broadcast_in_dim3A_270 : i32 to vector<16xi32>
          %gather3A_272 = tpu.vector_load_idx %arg12[%broadcast_in_dim3A_271, %and3A_260] masked %and3A_257 : memref<8x4096xf32, #tpu.memory_space<vmem>>[vector<16xi32>, vector<16xi32>], vector<16xf32>, vector<16xi1>
          tpu.vector_store_idx %arg7[%broadcast_in_dim3A_271, %gather3A_248], %gather3A_272 masked %and3A_257 : memref<8x4096xf32, #tpu.memory_space<vmem>>[vector<16xi32>, vector<16xi32>], vector<16xf32>, vector<16xi1>
          %broadcast_in_dim3A_273 = arith.constant 4 : i32
          %broadcast_in_dim3A_274 = vector.broadcast %broadcast_in_dim3A_273 : i32 to vector<16xi32>
          %gather3A_275 = tpu.vector_load_idx %arg12[%broadcast_in_dim3A_274, %and3A_260] masked %and3A_257 : memref<8x4096xf32, #tpu.memory_space<vmem>>[vector<16xi32>, vector<16xi32>], vector<16xf32>, vector<16xi1>
          tpu.vector_store_idx %arg7[%broadcast_in_dim3A_274, %gather3A_248], %gather3A_275 masked %and3A_257 : memref<8x4096xf32, #tpu.memory_space<vmem>>[vector<16xi32>, vector<16xi32>], vector<16xf32>, vector<16xi1>
          %broadcast_in_dim3A_276 = arith.constant 5 : i32
          %broadcast_in_dim3A_277 = vector.broadcast %broadcast_in_dim3A_276 : i32 to vector<16xi32>
          %gather3A_278 = tpu.vector_load_idx %arg12[%broadcast_in_dim3A_277, %and3A_260] masked %and3A_257 : memref<8x4096xf32, #tpu.memory_space<vmem>>[vector<16xi32>, vector<16xi32>], vector<16xf32>, vector<16xi1>
          tpu.vector_store_idx %arg7[%broadcast_in_dim3A_277, %gather3A_248], %gather3A_278 masked %and3A_257 : memref<8x4096xf32, #tpu.memory_space<vmem>>[vector<16xi32>, vector<16xi32>], vector<16xf32>, vector<16xi1>
          %broadcast_in_dim3A_279 = arith.constant 6 : i32
          %broadcast_in_dim3A_280 = vector.broadcast %broadcast_in_dim3A_279 : i32 to vector<16xi32>
          %gather3A_281 = tpu.vector_load_idx %arg12[%broadcast_in_dim3A_280, %and3A_260] masked %and3A_257 : memref<8x4096xf32, #tpu.memory_space<vmem>>[vector<16xi32>, vector<16xi32>], vector<16xf32>, vector<16xi1>
          tpu.vector_store_idx %arg7[%broadcast_in_dim3A_280, %gather3A_248], %gather3A_281 masked %and3A_257 : memref<8x4096xf32, #tpu.memory_space<vmem>>[vector<16xi32>, vector<16xi32>], vector<16xf32>, vector<16xi1>
          %broadcast_in_dim3A_282 = arith.constant 7 : i32
          %broadcast_in_dim3A_283 = vector.broadcast %broadcast_in_dim3A_282 : i32 to vector<16xi32>
          %gather3A_284 = tpu.vector_load_idx %arg12[%broadcast_in_dim3A_283, %and3A_260] masked %and3A_257 : memref<8x4096xf32, #tpu.memory_space<vmem>>[vector<16xi32>, vector<16xi32>], vector<16xf32>, vector<16xi1>
          tpu.vector_store_idx %arg7[%broadcast_in_dim3A_283, %gather3A_248], %gather3A_284 masked %and3A_257 : memref<8x4096xf32, #tpu.memory_space<vmem>>[vector<16xi32>, vector<16xi32>], vector<16xf32>, vector<16xi1>
        }
        %while3A_211 = arith.constant 1 : i32
        scf.for %while3A_240 = %while3A_209 to %while3A_205 step %while3A_211  : i32 {
          %mul3A_241 = arith.constant 16 : i32
          %mul3A_242 = arith.muli %while3A_240, %mul3A_241 : i32
          %add3A_243 = arith.addi %get3A_193, %mul3A_242 : i32
          %add3A_244 = vector.broadcast %add3A_243 : i32 to vector<16xi32>
          %add3A_245 = arith.addi %add3A_244, %iota3A : vector<16xi32>
          %lt3A_246 = vector.broadcast %get3A_197 : i32 to vector<16xi32>
          %lt3A_247 = arith.cmpi slt, %add3A_245, %lt3A_246 : vector<16xi32>
          %gather3A = tpu.vector_load_idx %arg8[%add3A_245] masked %lt3A_247 : memref<4160xi32, #tpu.memory_space<vmem>>[vector<16xi32>], vector<16xi32>, vector<16xi1>
          %gather3A_248 = tpu.vector_load_idx %arg9[%add3A_245] masked %lt3A_247 : memref<4160xi32, #tpu.memory_space<vmem>>[vector<16xi32>], vector<16xi32>, vector<16xi1>
          %shift_right_logical3A_249 = arith.constant 12 : i32
          %shift_right_logical3A_250 = vector.broadcast %shift_right_logical3A_249 : i32 to vector<16xi32>
          %shift_right_logical3A_251 = arith.shrui %gather3A, %shift_right_logical3A_250 : vector<16xi32>
          %eq3A = vector.broadcast %while3A : i32 to vector<16xi32>
          %eq3A_252 = arith.cmpi eq, %shift_right_logical3A_251, %eq3A : vector<16xi32>
          %and3A_253 = arith.andi %lt3A_247, %eq3A_252 : vector<16xi1>
          %lt3A_254 = arith.constant 99968 : i32
          %lt3A_255 = vector.broadcast %lt3A_254 : i32 to vector<16xi32>
          %lt3A_256 = arith.cmpi slt, %gather3A, %lt3A_255 : vector<16xi32>
          %and3A_257 = arith.andi %and3A_253, %lt3A_256 : vector<16xi1>
          %and3A_258 = arith.constant 4095 : i32
          %and3A_259 = vector.broadcast %and3A_258 : i32 to vector<16xi32>
          %and3A_260 = arith.andi %gather3A, %and3A_259 : vector<16xi32>
          %broadcast_in_dim3A_261 = arith.constant 0 : i32
          %broadcast_in_dim3A_262 = vector.broadcast %broadcast_in_dim3A_261 : i32 to vector<16xi32>
          %gather3A_263 = tpu.vector_load_idx %arg12[%broadcast_in_dim3A_262, %and3A_260] masked %and3A_257 : memref<8x4096xf32, #tpu.memory_space<vmem>>[vector<16xi32>, vector<16xi32>], vector<16xf32>, vector<16xi1>
          tpu.vector_store_idx %arg7[%broadcast_in_dim3A_262, %gather3A_248], %gather3A_263 masked %and3A_257 : memref<8x4096xf32, #tpu.memory_space<vmem>>[vector<16xi32>, vector<16xi32>], vector<16xf32>, vector<16xi1>
          %broadcast_in_dim3A_264 = arith.constant 1 : i32
          %broadcast_in_dim3A_265 = vector.broadcast %broadcast_in_dim3A_264 : i32 to vector<16xi32>
          %gather3A_266 = tpu.vector_load_idx %arg12[%broadcast_in_dim3A_265, %and3A_260] masked %and3A_257 : memref<8x4096xf32, #tpu.memory_space<vmem>>[vector<16xi32>, vector<16xi32>], vector<16xf32>, vector<16xi1>
          tpu.vector_store_idx %arg7[%broadcast_in_dim3A_265, %gather3A_248], %gather3A_266 masked %and3A_257 : memref<8x4096xf32, #tpu.memory_space<vmem>>[vector<16xi32>, vector<16xi32>], vector<16xf32>, vector<16xi1>
          %broadcast_in_dim3A_267 = arith.constant 2 : i32
          %broadcast_in_dim3A_268 = vector.broadcast %broadcast_in_dim3A_267 : i32 to vector<16xi32>
          %gather3A_269 = tpu.vector_load_idx %arg12[%broadcast_in_dim3A_268, %and3A_260] masked %and3A_257 : memref<8x4096xf32, #tpu.memory_space<vmem>>[vector<16xi32>, vector<16xi32>], vector<16xf32>, vector<16xi1>
          tpu.vector_store_idx %arg7[%broadcast_in_dim3A_268, %gather3A_248], %gather3A_269 masked %and3A_257 : memref<8x4096xf32, #tpu.memory_space<vmem>>[vector<16xi32>, vector<16xi32>], vector<16xf32>, vector<16xi1>
          %broadcast_in_dim3A_270 = arith.constant 3 : i32
          %broadcast_in_dim3A_271 = vector.broadcast %broadcast_in_dim3A_270 : i32 to vector<16xi32>
          %gather3A_272 = tpu.vector_load_idx %arg12[%broadcast_in_dim3A_271, %and3A_260] masked %and3A_257 : memref<8x4096xf32, #tpu.memory_space<vmem>>[vector<16xi32>, vector<16xi32>], vector<16xf32>, vector<16xi1>
          tpu.vector_store_idx %arg7[%broadcast_in_dim3A_271, %gather3A_248], %gather3A_272 masked %and3A_257 : memref<8x4096xf32, #tpu.memory_space<vmem>>[vector<16xi32>, vector<16xi32>], vector<16xf32>, vector<16xi1>
          %broadcast_in_dim3A_273 = arith.constant 4 : i32
          %broadcast_in_dim3A_274 = vector.broadcast %broadcast_in_dim3A_273 : i32 to vector<16xi32>
          %gather3A_275 = tpu.vector_load_idx %arg12[%broadcast_in_dim3A_274, %and3A_260] masked %and3A_257 : memref<8x4096xf32, #tpu.memory_space<vmem>>[vector<16xi32>, vector<16xi32>], vector<16xf32>, vector<16xi1>
          tpu.vector_store_idx %arg7[%broadcast_in_dim3A_274, %gather3A_248], %gather3A_275 masked %and3A_257 : memref<8x4096xf32, #tpu.memory_space<vmem>>[vector<16xi32>, vector<16xi32>], vector<16xf32>, vector<16xi1>
          %broadcast_in_dim3A_276 = arith.constant 5 : i32
          %broadcast_in_dim3A_277 = vector.broadcast %broadcast_in_dim3A_276 : i32 to vector<16xi32>
          %gather3A_278 = tpu.vector_load_idx %arg12[%broadcast_in_dim3A_277, %and3A_260] masked %and3A_257 : memref<8x4096xf32, #tpu.memory_space<vmem>>[vector<16xi32>, vector<16xi32>], vector<16xf32>, vector<16xi1>
          tpu.vector_store_idx %arg7[%broadcast_in_dim3A_277, %gather3A_248], %gather3A_278 masked %and3A_257 : memref<8x4096xf32, #tpu.memory_space<vmem>>[vector<16xi32>, vector<16xi32>], vector<16xf32>, vector<16xi1>
          %broadcast_in_dim3A_279 = arith.constant 6 : i32
          %broadcast_in_dim3A_280 = vector.broadcast %broadcast_in_dim3A_279 : i32 to vector<16xi32>
          %gather3A_281 = tpu.vector_load_idx %arg12[%broadcast_in_dim3A_280, %and3A_260] masked %and3A_257 : memref<8x4096xf32, #tpu.memory_space<vmem>>[vector<16xi32>, vector<16xi32>], vector<16xf32>, vector<16xi1>
          tpu.vector_store_idx %arg7[%broadcast_in_dim3A_280, %gather3A_248], %gather3A_281 masked %and3A_257 : memref<8x4096xf32, #tpu.memory_space<vmem>>[vector<16xi32>, vector<16xi32>], vector<16xf32>, vector<16xi1>
          %broadcast_in_dim3A_282 = arith.constant 7 : i32
          %broadcast_in_dim3A_283 = vector.broadcast %broadcast_in_dim3A_282 : i32 to vector<16xi32>
          %gather3A_284 = tpu.vector_load_idx %arg12[%broadcast_in_dim3A_283, %and3A_260] masked %and3A_257 : memref<8x4096xf32, #tpu.memory_space<vmem>>[vector<16xi32>, vector<16xi32>], vector<16xf32>, vector<16xi1>
          tpu.vector_store_idx %arg7[%broadcast_in_dim3A_283, %gather3A_248], %gather3A_284 masked %and3A_257 : memref<8x4096xf32, #tpu.memory_space<vmem>>[vector<16xi32>, vector<16xi32>], vector<16xf32>, vector<16xi1>
        }
        %dma_start3A_212 = arith.constant 0 : i32
        %dma_start3A_213 = tpu.memref_slice %arg4[%multiple_of3A, %dma_start3A_212] : memref<832x128xf32, #tpu.memory_space<hbm>> -> memref<8x128xf32, #tpu.memory_space<hbm>>
        %dma_start3A_214 = arith.constant 0 : i32
        %dma_start3A_215 = tpu.memref_slice %arg4[%multiple_of3A, %dma_start3A_214] : memref<832x128xf32, #tpu.memory_space<hbm>> -> memref<8x128xf32, #tpu.memory_space<hbm>>
        tpu.enqueue_dma source(%dma_start3A_215 : memref<8x128xf32, #tpu.memory_space<hbm>>) target(%arg14 : memref<8x128xf32, #tpu.memory_space<vmem>>) target_semaphore(%arg15 : memref<!tpu.dma_semaphore, #tpu.memory_space<semaphore_mem>>)
        %dma_wait3A_216 = arith.constant 0 : i32
        %dma_wait3A_217 = tpu.memref_slice %arg4[%multiple_of3A, %dma_wait3A_216] : memref<832x128xf32, #tpu.memory_space<hbm>> -> memref<8x128xf32, #tpu.memory_space<hbm>>
        %dma_wait3A_218 = arith.constant 0 : i32
        %dma_wait3A_219 = tpu.memref_slice %arg4[%multiple_of3A, %dma_wait3A_218] : memref<832x128xf32, #tpu.memory_space<hbm>> -> memref<8x128xf32, #tpu.memory_space<hbm>>
        tpu.wait_dma2 semaphore(%arg15 : memref<!tpu.dma_semaphore, #tpu.memory_space<semaphore_mem>>) src(%dma_wait3A_219 : memref<8x128xf32, #tpu.memory_space<hbm>>) dst(%arg14 : memref<8x128xf32, #tpu.memory_space<vmem>>)
        %get3A_220 = arith.constant 6 : i32
        %get3A_221 = arith.index_cast %get3A_220 : i32 to index
        %get3A_222 = memref.load %arg11[%get3A_221] : memref<16xi32, #tpu.memory_space<smem>>
        %get3A_223 = arith.constant 7 : i32
        %get3A_224 = arith.index_cast %get3A_223 : i32 to index
        %get3A_225 = memref.load %arg11[%get3A_224] : memref<16xi32, #tpu.memory_space<smem>>
        %sub3A_226 = arith.subi %get3A_225, %get3A_222 : i32
        %add3A_227 = arith.constant 15 : i32
        %add3A_228 = arith.addi %sub3A_226, %add3A_227 : i32
        %shift_right_logical3A_229 = arith.constant 4 : i32
        %shift_right_logical3A_230 = arith.shrui %add3A_228, %shift_right_logical3A_229 : i32
        %while3A_231 = arith.constant 0 : i32
        %while3A_232 = arith.subi %shift_right_logical3A_230, %while3A_231 : i32
        %while3A_233 = arith.addi %while3A_231, %while3A_232 : i32
        %while3A_234 = arith.constant 1 : i32
        %while3A_235 = arith.divsi %while3A_232, %while3A_234 : i32
        %while3A_236 = arith.muli %while3A_235, %while3A_234 : i32
        %while3A_237 = arith.addi %while3A_231, %while3A_236 : i32
        %while3A_238 = arith.constant 1 : i32
        scf.for %while3A_240 = %while3A_231 to %while3A_237 step %while3A_238  : i32 {
          %mul3A_241 = arith.constant 16 : i32
          %mul3A_242 = arith.muli %while3A_240, %mul3A_241 : i32
          %add3A_243 = arith.addi %get3A_222, %mul3A_242 : i32
          %add3A_244 = vector.broadcast %add3A_243 : i32 to vector<16xi32>
          %add3A_245 = arith.addi %add3A_244, %iota3A : vector<16xi32>
          %lt3A_246 = vector.broadcast %get3A_225 : i32 to vector<16xi32>
          %lt3A_247 = arith.cmpi slt, %add3A_245, %lt3A_246 : vector<16xi32>
          %gather3A = tpu.vector_load_idx %arg8[%add3A_245] masked %lt3A_247 : memref<4160xi32, #tpu.memory_space<vmem>>[vector<16xi32>], vector<16xi32>, vector<16xi1>
          %gather3A_248 = tpu.vector_load_idx %arg9[%add3A_245] masked %lt3A_247 : memref<4160xi32, #tpu.memory_space<vmem>>[vector<16xi32>], vector<16xi32>, vector<16xi1>
          %ge3A = arith.constant 99968 : i32
          %ge3A_249 = vector.broadcast %ge3A : i32 to vector<16xi32>
          %ge3A_250 = arith.cmpi sge, %gather3A, %ge3A_249 : vector<16xi32>
          %and3A_251 = arith.andi %lt3A_247, %ge3A_250 : vector<16xi1>
          %sub3A_252 = arith.constant 99968 : i32
          %sub3A_253 = vector.broadcast %sub3A_252 : i32 to vector<16xi32>
          %sub3A_254 = arith.subi %gather3A, %sub3A_253 : vector<16xi32>
          %max3A = arith.constant 0 : i32
          %max3A_255 = vector.broadcast %max3A : i32 to vector<16xi32>
          %max3A_256 = arith.maxsi %sub3A_254, %max3A_255 : vector<16xi32>
          %broadcast_in_dim3A_257 = arith.constant 0 : i32
          %broadcast_in_dim3A_258 = vector.broadcast %broadcast_in_dim3A_257 : i32 to vector<16xi32>
          %gather3A_259 = tpu.vector_load_idx %arg14[%broadcast_in_dim3A_258, %max3A_256] masked %and3A_251 : memref<8x128xf32, #tpu.memory_space<vmem>>[vector<16xi32>, vector<16xi32>], vector<16xf32>, vector<16xi1>
          tpu.vector_store_idx %arg7[%broadcast_in_dim3A_258, %gather3A_248], %gather3A_259 masked %and3A_251 : memref<8x4096xf32, #tpu.memory_space<vmem>>[vector<16xi32>, vector<16xi32>], vector<16xf32>, vector<16xi1>
          %broadcast_in_dim3A_260 = arith.constant 1 : i32
          %broadcast_in_dim3A_261 = vector.broadcast %broadcast_in_dim3A_260 : i32 to vector<16xi32>
          %gather3A_262 = tpu.vector_load_idx %arg14[%broadcast_in_dim3A_261, %max3A_256] masked %and3A_251 : memref<8x128xf32, #tpu.memory_space<vmem>>[vector<16xi32>, vector<16xi32>], vector<16xf32>, vector<16xi1>
          tpu.vector_store_idx %arg7[%broadcast_in_dim3A_261, %gather3A_248], %gather3A_262 masked %and3A_251 : memref<8x4096xf32, #tpu.memory_space<vmem>>[vector<16xi32>, vector<16xi32>], vector<16xf32>, vector<16xi1>
          %broadcast_in_dim3A_263 = arith.constant 2 : i32
          %broadcast_in_dim3A_264 = vector.broadcast %broadcast_in_dim3A_263 : i32 to vector<16xi32>
          %gather3A_265 = tpu.vector_load_idx %arg14[%broadcast_in_dim3A_264, %max3A_256] masked %and3A_251 : memref<8x128xf32, #tpu.memory_space<vmem>>[vector<16xi32>, vector<16xi32>], vector<16xf32>, vector<16xi1>
          tpu.vector_store_idx %arg7[%broadcast_in_dim3A_264, %gather3A_248], %gather3A_265 masked %and3A_251 : memref<8x4096xf32, #tpu.memory_space<vmem>>[vector<16xi32>, vector<16xi32>], vector<16xf32>, vector<16xi1>
          %broadcast_in_dim3A_266 = arith.constant 3 : i32
          %broadcast_in_dim3A_267 = vector.broadcast %broadcast_in_dim3A_266 : i32 to vector<16xi32>
          %gather3A_268 = tpu.vector_load_idx %arg14[%broadcast_in_dim3A_267, %max3A_256] masked %and3A_251 : memref<8x128xf32, #tpu.memory_space<vmem>>[vector<16xi32>, vector<16xi32>], vector<16xf32>, vector<16xi1>
          tpu.vector_store_idx %arg7[%broadcast_in_dim3A_267, %gather3A_248], %gather3A_268 masked %and3A_251 : memref<8x4096xf32, #tpu.memory_space<vmem>>[vector<16xi32>, vector<16xi32>], vector<16xf32>, vector<16xi1>
          %broadcast_in_dim3A_269 = arith.constant 4 : i32
          %broadcast_in_dim3A_270 = vector.broadcast %broadcast_in_dim3A_269 : i32 to vector<16xi32>
          %gather3A_271 = tpu.vector_load_idx %arg14[%broadcast_in_dim3A_270, %max3A_256] masked %and3A_251 : memref<8x128xf32, #tpu.memory_space<vmem>>[vector<16xi32>, vector<16xi32>], vector<16xf32>, vector<16xi1>
          tpu.vector_store_idx %arg7[%broadcast_in_dim3A_270, %gather3A_248], %gather3A_271 masked %and3A_251 : memref<8x4096xf32, #tpu.memory_space<vmem>>[vector<16xi32>, vector<16xi32>], vector<16xf32>, vector<16xi1>
          %broadcast_in_dim3A_272 = arith.constant 5 : i32
          %broadcast_in_dim3A_273 = vector.broadcast %broadcast_in_dim3A_272 : i32 to vector<16xi32>
          %gather3A_274 = tpu.vector_load_idx %arg14[%broadcast_in_dim3A_273, %max3A_256] masked %and3A_251 : memref<8x128xf32, #tpu.memory_space<vmem>>[vector<16xi32>, vector<16xi32>], vector<16xf32>, vector<16xi1>
          tpu.vector_store_idx %arg7[%broadcast_in_dim3A_273, %gather3A_248], %gather3A_274 masked %and3A_251 : memref<8x4096xf32, #tpu.memory_space<vmem>>[vector<16xi32>, vector<16xi32>], vector<16xf32>, vector<16xi1>
          %broadcast_in_dim3A_275 = arith.constant 6 : i32
          %broadcast_in_dim3A_276 = vector.broadcast %broadcast_in_dim3A_275 : i32 to vector<16xi32>
          %gather3A_277 = tpu.vector_load_idx %arg14[%broadcast_in_dim3A_276, %max3A_256] masked %and3A_251 : memref<8x128xf32, #tpu.memory_space<vmem>>[vector<16xi32>, vector<16xi32>], vector<16xf32>, vector<16xi1>
          tpu.vector_store_idx %arg7[%broadcast_in_dim3A_276, %gather3A_248], %gather3A_277 masked %and3A_251 : memref<8x4096xf32, #tpu.memory_space<vmem>>[vector<16xi32>, vector<16xi32>], vector<16xf32>, vector<16xi1>
          %broadcast_in_dim3A_278 = arith.constant 7 : i32
          %broadcast_in_dim3A_279 = vector.broadcast %broadcast_in_dim3A_278 : i32 to vector<16xi32>
          %gather3A_280 = tpu.vector_load_idx %arg14[%broadcast_in_dim3A_279, %max3A_256] masked %and3A_251 : memref<8x128xf32, #tpu.memory_space<vmem>>[vector<16xi32>, vector<16xi32>], vector<16xf32>, vector<16xi1>
          tpu.vector_store_idx %arg7[%broadcast_in_dim3A_279, %gather3A_248], %gather3A_280 masked %and3A_251 : memref<8x4096xf32, #tpu.memory_space<vmem>>[vector<16xi32>, vector<16xi32>], vector<16xf32>, vector<16xi1>
        }
        %while3A_239 = arith.constant 1 : i32
        scf.for %while3A_240 = %while3A_237 to %while3A_233 step %while3A_239  : i32 {
          %mul3A_241 = arith.constant 16 : i32
          %mul3A_242 = arith.muli %while3A_240, %mul3A_241 : i32
          %add3A_243 = arith.addi %get3A_222, %mul3A_242 : i32
          %add3A_244 = vector.broadcast %add3A_243 : i32 to vector<16xi32>
          %add3A_245 = arith.addi %add3A_244, %iota3A : vector<16xi32>
          %lt3A_246 = vector.broadcast %get3A_225 : i32 to vector<16xi32>
          %lt3A_247 = arith.cmpi slt, %add3A_245, %lt3A_246 : vector<16xi32>
          %gather3A = tpu.vector_load_idx %arg8[%add3A_245] masked %lt3A_247 : memref<4160xi32, #tpu.memory_space<vmem>>[vector<16xi32>], vector<16xi32>, vector<16xi1>
          %gather3A_248 = tpu.vector_load_idx %arg9[%add3A_245] masked %lt3A_247 : memref<4160xi32, #tpu.memory_space<vmem>>[vector<16xi32>], vector<16xi32>, vector<16xi1>
          %ge3A = arith.constant 99968 : i32
          %ge3A_249 = vector.broadcast %ge3A : i32 to vector<16xi32>
          %ge3A_250 = arith.cmpi sge, %gather3A, %ge3A_249 : vector<16xi32>
          %and3A_251 = arith.andi %lt3A_247, %ge3A_250 : vector<16xi1>
          %sub3A_252 = arith.constant 99968 : i32
          %sub3A_253 = vector.broadcast %sub3A_252 : i32 to vector<16xi32>
          %sub3A_254 = arith.subi %gather3A, %sub3A_253 : vector<16xi32>
          %max3A = arith.constant 0 : i32
          %max3A_255 = vector.broadcast %max3A : i32 to vector<16xi32>
          %max3A_256 = arith.maxsi %sub3A_254, %max3A_255 : vector<16xi32>
          %broadcast_in_dim3A_257 = arith.constant 0 : i32
          %broadcast_in_dim3A_258 = vector.broadcast %broadcast_in_dim3A_257 : i32 to vector<16xi32>
          %gather3A_259 = tpu.vector_load_idx %arg14[%broadcast_in_dim3A_258, %max3A_256] masked %and3A_251 : memref<8x128xf32, #tpu.memory_space<vmem>>[vector<16xi32>, vector<16xi32>], vector<16xf32>, vector<16xi1>
          tpu.vector_store_idx %arg7[%broadcast_in_dim3A_258, %gather3A_248], %gather3A_259 masked %and3A_251 : memref<8x4096xf32, #tpu.memory_space<vmem>>[vector<16xi32>, vector<16xi32>], vector<16xf32>, vector<16xi1>
          %broadcast_in_dim3A_260 = arith.constant 1 : i32
          %broadcast_in_dim3A_261 = vector.broadcast %broadcast_in_dim3A_260 : i32 to vector<16xi32>
          %gather3A_262 = tpu.vector_load_idx %arg14[%broadcast_in_dim3A_261, %max3A_256] masked %and3A_251 : memref<8x128xf32, #tpu.memory_space<vmem>>[vector<16xi32>, vector<16xi32>], vector<16xf32>, vector<16xi1>
          tpu.vector_store_idx %arg7[%broadcast_in_dim3A_261, %gather3A_248], %gather3A_262 masked %and3A_251 : memref<8x4096xf32, #tpu.memory_space<vmem>>[vector<16xi32>, vector<16xi32>], vector<16xf32>, vector<16xi1>
          %broadcast_in_dim3A_263 = arith.constant 2 : i32
          %broadcast_in_dim3A_264 = vector.broadcast %broadcast_in_dim3A_263 : i32 to vector<16xi32>
          %gather3A_265 = tpu.vector_load_idx %arg14[%broadcast_in_dim3A_264, %max3A_256] masked %and3A_251 : memref<8x128xf32, #tpu.memory_space<vmem>>[vector<16xi32>, vector<16xi32>], vector<16xf32>, vector<16xi1>
          tpu.vector_store_idx %arg7[%broadcast_in_dim3A_264, %gather3A_248], %gather3A_265 masked %and3A_251 : memref<8x4096xf32, #tpu.memory_space<vmem>>[vector<16xi32>, vector<16xi32>], vector<16xf32>, vector<16xi1>
          %broadcast_in_dim3A_266 = arith.constant 3 : i32
          %broadcast_in_dim3A_267 = vector.broadcast %broadcast_in_dim3A_266 : i32 to vector<16xi32>
          %gather3A_268 = tpu.vector_load_idx %arg14[%broadcast_in_dim3A_267, %max3A_256] masked %and3A_251 : memref<8x128xf32, #tpu.memory_space<vmem>>[vector<16xi32>, vector<16xi32>], vector<16xf32>, vector<16xi1>
          tpu.vector_store_idx %arg7[%broadcast_in_dim3A_267, %gather3A_248], %gather3A_268 masked %and3A_251 : memref<8x4096xf32, #tpu.memory_space<vmem>>[vector<16xi32>, vector<16xi32>], vector<16xf32>, vector<16xi1>
          %broadcast_in_dim3A_269 = arith.constant 4 : i32
          %broadcast_in_dim3A_270 = vector.broadcast %broadcast_in_dim3A_269 : i32 to vector<16xi32>
          %gather3A_271 = tpu.vector_load_idx %arg14[%broadcast_in_dim3A_270, %max3A_256] masked %and3A_251 : memref<8x128xf32, #tpu.memory_space<vmem>>[vector<16xi32>, vector<16xi32>], vector<16xf32>, vector<16xi1>
          tpu.vector_store_idx %arg7[%broadcast_in_dim3A_270, %gather3A_248], %gather3A_271 masked %and3A_251 : memref<8x4096xf32, #tpu.memory_space<vmem>>[vector<16xi32>, vector<16xi32>], vector<16xf32>, vector<16xi1>
          %broadcast_in_dim3A_272 = arith.constant 5 : i32
          %broadcast_in_dim3A_273 = vector.broadcast %broadcast_in_dim3A_272 : i32 to vector<16xi32>
          %gather3A_274 = tpu.vector_load_idx %arg14[%broadcast_in_dim3A_273, %max3A_256] masked %and3A_251 : memref<8x128xf32, #tpu.memory_space<vmem>>[vector<16xi32>, vector<16xi32>], vector<16xf32>, vector<16xi1>
          tpu.vector_store_idx %arg7[%broadcast_in_dim3A_273, %gather3A_248], %gather3A_274 masked %and3A_251 : memref<8x4096xf32, #tpu.memory_space<vmem>>[vector<16xi32>, vector<16xi32>], vector<16xf32>, vector<16xi1>
          %broadcast_in_dim3A_275 = arith.constant 6 : i32
          %broadcast_in_dim3A_276 = vector.broadcast %broadcast_in_dim3A_275 : i32 to vector<16xi32>
          %gather3A_277 = tpu.vector_load_idx %arg14[%broadcast_in_dim3A_276, %max3A_256] masked %and3A_251 : memref<8x128xf32, #tpu.memory_space<vmem>>[vector<16xi32>, vector<16xi32>], vector<16xf32>, vector<16xi1>
          tpu.vector_store_idx %arg7[%broadcast_in_dim3A_276, %gather3A_248], %gather3A_277 masked %and3A_251 : memref<8x4096xf32, #tpu.memory_space<vmem>>[vector<16xi32>, vector<16xi32>], vector<16xf32>, vector<16xi1>
          %broadcast_in_dim3A_278 = arith.constant 7 : i32
          %broadcast_in_dim3A_279 = vector.broadcast %broadcast_in_dim3A_278 : i32 to vector<16xi32>
          %gather3A_280 = tpu.vector_load_idx %arg14[%broadcast_in_dim3A_279, %max3A_256] masked %and3A_251 : memref<8x128xf32, #tpu.memory_space<vmem>>[vector<16xi32>, vector<16xi32>], vector<16xf32>, vector<16xi1>
          tpu.vector_store_idx %arg7[%broadcast_in_dim3A_279, %gather3A_248], %gather3A_280 masked %and3A_251 : memref<8x4096xf32, #tpu.memory_space<vmem>>[vector<16xi32>, vector<16xi32>], vector<16xf32>, vector<16xi1>
        }
        "tpu.region"() ({
          %run_scoped3A = tpu.sem_alloc : memref<!tpu.dma_semaphore, #tpu.memory_space<semaphore_mem>>
          %dma_start3A_240 = arith.constant 0 : i32
          %dma_start3A_241 = tpu.memref_slice %arg5[%multiple_of3A, %dma_start3A_240] : memref<832x4096xf32, #tpu.memory_space<hbm>> -> memref<8x4096xf32, #tpu.memory_space<hbm>>
          %dma_start3A_242 = arith.constant 0 : i32
          %dma_start3A_243 = tpu.memref_slice %arg5[%multiple_of3A, %dma_start3A_242] : memref<832x4096xf32, #tpu.memory_space<hbm>> -> memref<8x4096xf32, #tpu.memory_space<hbm>>
          tpu.enqueue_dma source(%arg7 : memref<8x4096xf32, #tpu.memory_space<vmem>>) target(%dma_start3A_243 : memref<8x4096xf32, #tpu.memory_space<hbm>>) target_semaphore(%run_scoped3A : memref<!tpu.dma_semaphore, #tpu.memory_space<semaphore_mem>>)
          %dma_wait3A_244 = arith.constant 0 : i32
          %dma_wait3A_245 = tpu.memref_slice %arg5[%multiple_of3A, %dma_wait3A_244] : memref<832x4096xf32, #tpu.memory_space<hbm>> -> memref<8x4096xf32, #tpu.memory_space<hbm>>
          %dma_wait3A_246 = arith.constant 0 : i32
          %dma_wait3A_247 = tpu.memref_slice %arg5[%multiple_of3A, %dma_wait3A_246] : memref<832x4096xf32, #tpu.memory_space<hbm>> -> memref<8x4096xf32, #tpu.memory_space<hbm>>
          tpu.wait_dma2 semaphore(%run_scoped3A : memref<!tpu.dma_semaphore, #tpu.memory_space<semaphore_mem>>) src(%arg7 : memref<8x4096xf32, #tpu.memory_space<vmem>>) dst(%dma_wait3A_247 : memref<8x4096xf32, #tpu.memory_space<hbm>>)
          tpu.yield
        }) : () -> ()
      } else {
      }
    }
    %scan3A_7 = arith.constant 4 : i32
    return
  }
}

</mosaic_0001>

<sc_bundles>
// kernel: kernel.3.cloned.1.call-start
scs
__scs_entry_jumppad:
0x0: {  	(pc) =	sbr.rel $0x88, $3  }
0x1: {  	(tag) =	ssettag $0x0;
	lr =	simm.s32 $0x1  }
0x2: {  	[smem:$0x3F9F] =	sst lr;
	_ =	strace $0xD0000000  }
0x3: {  	_ = 	snop  }
0x4: {  	_ = 	snop  }
0x5: {  	_ = 	snop  }
0x6: {  	_ = 	snop  }
0x7: {  	_ = 	snop  }
__scs_overlays_trampoline_lowered:
0x8: {  	[smem:$0x3FAE] =	sst s0  }
0x9: {  	[smem:$0x3FAF] =	sst s1  }
0xa: {  	[smem:$0x3FB0] =	sst s2  }
0xb: {  	[smem:$0x3FB1] =	sst s3  }
0xc: {  	[smem:$0x3FB2] =	sst s4  }
0xd: {  	[smem:$0x3FB3] =	sst s5  }
0xe: {  	[smem:$0x3FB4] =	sst s6  }
0xf: {  	[smem:$0x3FB5] =	sst s7  }
0x10: {  	[smem:$0x3FB6] =	sst s8  }
0x11: {  	[smem:$0x3FB7] =	sst s9;
	s0 =	simm.s32 @!p0 $0x0  }
0x12: {  	s1 =	sld [smem:$0x3F9D];
	s0 =	simm.s32 @p0 $0x1  }
0x13: {  	[smem:$0x3FB8] =	sst s0;
	s0 =	simm.s32 @!p1 $0x0  }
0x14: {  	s2 =	sld [smem:$0x3F9C];
	s0 =	simm.s32 @p1 $0x1  }
0x15: {  	[smem:$0x3FB9] =	sst s0;
	s0 =	simm.s32 @!p2 $0x0  }
0x16: {  	s3 =	sld [smem:$0x3FDB];
	s0 =	simm.s32 @p2 $0x1  }
0x17: {  	s4 =	simm.s32 $0x1BF5;
	[smem:$0x3FBB] =	sst s0  }
0x18: {  	s0 =	sld [smem:$0x3F9E];
	_ =	swait.ge [sflag:s4], $0x0  }
0x19: {  	s7 =	sld [smem:$0x3F9F]  }
0x1a: {  	s8 =	sadd.s32 $0xFFFFE003, lr  }
0x1b: {  	s9 =	sadd.s32 $0xFFFFFEF7, lr;
	s5 =	simm.s32 $0xFFFFFFFF;
	p2 =	slt.u32 s8, $0xFFFFF086  }
0x1c: {  	p1 =	slt.u32 s9, $0xF7A;
	s5 =	simm.s32 @!p2 $0x0  }
0x1d: {  	s5 =	simm.s32 @p1 $0x1;
	p0 =	seq.s32 s7, s2  }
0x1e: {  	s7 =	smul.u32 @!p0 $0xF7A, s2;
	p2 =	seq.s32 @!p0 s5, $0x0  }
0x1f: {  	s9 =	smul.u32 $0xF7A, s1;
	s8 =	simm.s32 @!p0 $0x1BF5;
	p2 =	por !p2, p0  }
0x20: {  	[sflag:s8] =	ssyncset.s32 @!p0 $0xFFFFF086;
	s6 =	sadd.s32 @!p0 s3, s7;
	s7 =	simm.s32 @!p0 $0x108  }
0x21: {  	s3 =	sadd.s32 s3, s9;
	s6 =	sadd.s32 @!p0 $0x88, s6;
	s7 =	simm.s32 @p2 $0x1082  }
0x22: {  	[simem:s7], [sflag:s8] =	dma.local @!p0 [hbm:s6], $0xF7A  }
0x23: {  	s9 =	sor.u32 $0xD0000000, s2;
	s6 =	simm.s32 $0x108;
	_ =	swait.ge @!p0 [sflag:s8], $0x0  }
0x24: {  	s3 =	sadd.s32 $0x88, s3;
	s6 =	simm.s32 @!p1 $0x1082;
	[sflag:s4] =	ssyncset.s32 $0xFFFFF086  }
0x25: {  	[simem:s6], [sflag:s4] =	dma.local [hbm:s3], $0xF7A  }
0x26: {  	[smem:$0x3F9F] =	sst s1;
	(tag) =	ssettag s2;
	_ =	strace s9  }
0x27: {  	s1 =	sld [smem:$0x3FAF]  }
0x28: {  	s2 =	sld [smem:$0x3FB0]  }
0x29: {  	s4 =	sld [smem:$0x3FB2]  }
0x2a: {  	p0 =	seq.s32 s5, $0x0;
	s5 =	sld [smem:$0x3FB3]  }
0x2b: {  	s6 =	sld [smem:$0x3FB4]  }
0x2c: {  	s7 =	sld [smem:$0x3FB5]  }
0x2d: {  	s3 =	simm.s32 $0x108;
	s8 =	sld [smem:$0x3FB6]  }
0x2e: {  	s3 =	simm.s32 @!p0 $0x1082;
	s9 =	sld [smem:$0x3FB7]  }
0x2f: {  	lr =	sadd.s32 s0, s3;
	s0 =	sld [smem:$0x3FAE]  }
0x30: {  	s3 =	sld [smem:$0x3FB1]  }
0x31: {  	[smem:$0x3FBA] =	sst s10  }
0x32: {  	s10 =	sld [smem:$0x3FB8];
	_ =	sdelay $0x3  }
0x33: {  	p0 =	seq.s32 s10, $0x1;
	s10 =	sld [smem:$0x3FBA];
	_ =	sdelay $0x3  }
0x34: {  	[smem:$0x3FBA] =	sst s10  }
0x35: {  	s10 =	sld [smem:$0x3FB9];
	_ =	sdelay $0x3  }
0x36: {  	p1 =	seq.s32 s10, $0x1;
	s10 =	sld [smem:$0x3FBA];
	_ =	sdelay $0x3  }
0x37: {  	[smem:$0x3FBA] =	sst s10  }
0x38: {  	s10 =	sld [smem:$0x3FBB]  }
0x39: {  	_ = 	snop;
	(pc) =	sbr.ind lr, $3  }
0x3a: {  	_ = 	snop  }
0x3b: {  	_ = 	snop  }
0x3c: {  	p2 =	seq.s32 s10, $0x1;
	s10 =	sld [smem:$0x3FBA]  }
0x3d: {  	_ =	shalt  }
0x3e: {  	_ =	shalt  }
0x3f: {  	_ =	shalt  }
0x40: {  	_ =	shalt  }
0x41: {  	_ =	shalt  }
0x42: {  	_ =	shalt  }
0x43: {  	_ =	shalt  }
0x44: {  	_ =	shalt  }
0x45: {  	_ =	shalt  }
0x46: {  	_ =	shalt  }
0x47: {  	_ =	shalt  }
0x48: {  	_ =	shalt  }
0x49: {  	_ =	shalt  }
0x4a: {  	_ =	shalt  }
0x4b: {  	_ =	shalt  }
0x4c: {  	_ =	shalt  }
0x4d: {  	_ =	shalt  }
0x4e: {  	_ =	shalt  }
0x4f: {  	_ =	shalt  }
0x50: {  	_ =	shalt  }
0x51: {  	_ =	shalt  }
0x52: {  	_ =	shalt  }
0x53: {  	_ =	shalt  }
0x54: {  	_ =	shalt  }
0x55: {  	_ =	shalt  }
0x56: {  	_ =	shalt  }
0x57: {  	_ =	shalt  }
0x58: {  	_ =	shalt  }
0x59: {  	_ =	shalt  }
0x5a: {  	_ =	shalt  }
0x5b: {  	_ =	shalt  }
0x5c: {  	_ =	shalt  }
0x5d: {  	_ =	shalt  }
0x5e: {  	_ =	shalt  }
0x5f: {  	_ =	shalt  }
0x60: {  	_ =	shalt  }
0x61: {  	_ =	shalt  }
0x62: {  	_ =	shalt  }
0x63: {  	_ =	shalt  }
0x64: {  	_ =	shalt  }
0x65: {  	_ =	shalt  }
0x66: {  	_ =	shalt  }
0x67: {  	_ =	shalt  }
0x68: {  	_ =	shalt  }
0x69: {  	_ =	shalt  }
0x6a: {  	_ =	shalt  }
0x6b: {  	_ =	shalt  }
0x6c: {  	_ =	shalt  }
0x6d: {  	_ =	shalt  }
0x6e: {  	_ =	shalt  }
0x6f: {  	_ =	shalt  }
0x70: {  	_ =	shalt  }
0x71: {  	_ =	shalt  }
0x72: {  	_ =	shalt  }
0x73: {  	_ =	shalt  }
0x74: {  	_ =	shalt  }
0x75: {  	_ =	shalt  }
0x76: {  	_ =	shalt  }
0x77: {  	_ =	shalt  }
0x78: {  	_ =	shalt  }
0x79: {  	_ =	shalt  }
0x7a: {  	_ =	shalt  }
0x7b: {  	_ =	shalt  }
0x7c: {  	_ =	shalt  }
0x7d: {  	_ =	shalt  }
0x7e: {  	_ =	shalt  }
0x7f: {  	_ =	shalt  }
0x80: {  	_ =	shalt  }
0x81: {  	_ =	shalt  }
0x82: {  	_ =	shalt  }
0x83: {  	_ =	shalt  }
0x84: {  	_ =	shalt  }
0x85: {  	_ =	shalt  }
0x86: {  	_ =	shalt  }
0x87: {  	_ =	shalt  }
.Lfunc_end0:
.L_simem_size_0:
called_computation_lowered:
.L_overlay_start_0:
0x88: {  	s2 =	sld [smem:$0x3FD9]  }
0x89: {  	s3 =	sld [smem:$0x3FFE];
	_ =	sdelay $0x1  }
0x8a: {  	s1 =	srdreg.scid  }
0x8b: {  	s0 =	sand.u32 $0x1, s1  }
0x8c: {  	s17 =	sshll.u32 s0, $0xA;
	s2 =	sadd.s32 s3, s2  }
0x8d: {  	s2 =	sadd.s32 s2, s17  }
0x8e: {  	[smem:$0x3FC6] =	sst s2  }
0x8f: {  	_ = 	snop  }
0x90: {  	s2 =	sld [smem:$0x3FC8]  }
0x91: {  	s18 =	sld [smem:$0x3FD0];
	(tm) =	ssettm $0x1  }
0x92: {  	s4 =	sld [smem:$0x3FFB];
	_ =	sdelay $0x3  }
0x93: {  	_ =	strace s4  }
0x94: {  	s4 =	sld [smem:$0x3FFC];
	_ =	sdelay $0x3  }
0x95: {  	_ =	strace s4  }
0x96: {  	s4 =	sld [smem:$0x3FFD];
	_ =	sdelay $0x3  }
0x97: {  	_ =	strace s4  }
0x98: {  	_ =	strace $0x8FFFFFFF  }
0x99: {  	s19 =	sld [smem:$0x3FDB];
	_ =	sdelay $0x1  }
0x9a: {  	s5 =	simm.s32 $_scs_section_size  }
0x9b: {  	s6 =	simm.s32 $_size__tile_overlayer_lowered;
	s7 =	simm.s32 $_tile_overlayer_lowered  }
0x9c: {  	s22 =	simm.s32 $0x1BFF;
	s21 =	sshll.u32 s7, $0x1;
	s4 =	sadd.s32 s5, s19  }
0x9d: {  	s8 =	simm.s32 $0x0;
	s20 =	sshll.u32 s6, $0x1;
	s6 =	sadd.s32 s21, s4  }
0x9e: {  	[timem:s8], [sflag:s22] =	dma.local [hbm:s6], s20  }
0x9f: {  	_ =	swait.ge [sflag:s22], s20  }
0xa0: {  	s5 =	ssub.s32 $0x0, s20;
	[sflag:s22] =	ssyncset.done $0x0  }
0xa1: {  	[sflag:s22] =	ssyncadd.s32 s5;
	_ =	sdelay $0x1  }
0xa2: {  	s23 =	simm.s32 $0x1B8B  }
0xa3: {  	_ =	swait.ge [sflag:s23], $0x1  }
0xa4: {  	[sflag:s23] =	ssyncset.done $0x0  }
0xa5: {  	s25 =	simm.s32 $0x1B8E;
	s24 =	sld [smem:$0x3FFE];
	[sflag:s23] =	ssyncadd.s32 $0xFFFFFFFF  }
0xa6: {  	s26 =	simm.s32 $execute0_lowered;
	[smem:$0x3FD2] =	sst s25  }
0xa7: {  	s6 =	sshll.u32 s26, $0x1;
	_ =	strace $0x80000046;
	[dreg:$0x1] =	wrdreg $0xFFFFFFFF  }
0xa8: {  	s28 =	simm.s32 $_size_execute0_lowered;
	s4 =	sadd.s32 s4, s6;
	[dreg:$0x0] =	wrdreg $0x0  }
0xa9: {  	s6 =	sshll.u32 s28, $0x1;
	[dreg:$0x2] =	wrdreg s4  }
0xaa: {  	[dreg:$0x3] =	wrdreg s6  }
0xab: {  	[dreg:$0x4] =	wrdreg $0xC0  }
0xac: {  	_ =	task [dreg:s8], $0x5FFFF  }
0xad: {  	[dreg:$0x1] =	wrdreg $0xFFFFFFFF  }
0xae: {  	[dreg:$0x0] =	wrdreg $0x60  }
0xaf: {  	[dreg:$0x2] =	wrdreg s24  }
0xb0: {  	[dreg:$0x3] =	wrdreg s2  }
0xb1: {  	[dreg:$0x4] =	wrdreg s18  }
0xb2: {  	[dreg:$0x5] =	wrdreg $0x9  }
0xb3: {  	_ =	task.clear_ibuf [dreg:s8], $0x6FFFF;
	_ =	strace $0x90000046  }
0xb4: {  	s29 =	simm.s32 $0x9;
	_ =	strace $0x80000048  }
0xb5: {  	_ =	swait.ge [sflag:s29], $0x1  }
0xb6: {  	[sflag:s29] =	ssyncadd.s32 $0xFFFFFFFF  }
0xb7: {  	_ =	strace $0x90000048  }
0xb8: {  	_ =	sfence  }
0xb9: {  	s30 =	sld [smem:$0x0];
	_ =	sdelay $0x2  }
0xba: {  	s31 =	sshll.u32 s1, $0xD;
	s1 =	sshrl.u32 s1, $0x2  }
0xbb: {  	s3 =	sand.u32 $0x4000, s31;
	s1 =	sadd.s32 s1, s30  }
0xbc: {  	s0 =	sor.u32 s3, s0;
	s1 =	sshll.u32 s1, $0x11  }
0xbd: {  	s0 =	sor.u32 s1, s0  }
0xbe: {  	s0 =	sadd.s32 $0x8F2B, s0  }
0xbf: {  	[sflag:s0] =	ssyncadd.remote.s32 $0x1  }
0xc0: {  	_ =	sfence.sel $0xFFFF  }
0xc1: {  	[dreg:$0x0] =	wrdreg $0xFFFFFFFF;
	(pc) =	sbr.abs _section_cstart, $3  }
0xc2: {  	[dreg:$0x1] =	wrdreg $0xFFFFFFFF  }
0xc3: {  	_ =	task.clear_ibuf [dreg:s8], $0x2FFFF;
	_ =	strace $0x9FFFFFFF  }
0xc4: {  	(tm) =	ssettm $0x7FFFFFFF  }
0xc5: {  	_ =	shalt  }
tec
execute0_lowered:
.L_overlay_start_1:
0x0: {  	(tag) =	ssettag $0x1  }
0x1: {  	s0 =	rddreg [dreg:$0x0]  }
0x2: {  	s1 =	rddreg [dreg:$0x1]  }
0x3: {  	s2 =	srdreg.scid;
	s4 =	simm.s32 $0x0;
	s3 =	stileid.u32  }
0x4: {  	s9 =	simm.s32 $0x1;
	s10 =	simm.s32 $0xB180;
	s11 =	simm.s32 $0x13180  }
0x5: {  	s12 =	simm.s32 $0x4;
	s13 =	simm.s32 $0xB100;
	s14 =	simm.s32 $0x9000  }
0x6: {  	s15 =	simm.s32 $0xA080;
	s16 =	simm.s32 $0x2;
	s17 =	simm.s32 $0x1B180  }
0x7: {  	s18 =	simm.s32 $0x1000;
	s19 =	simm.s32 $0x3;
	s2 =	sand.u32 $0x1, s2  }
.Ltmp0:
0x8: {  	[smem:$0x7FF] =	sst s4;
	s7 =	ssub.s32 $0x2, s2;
	(pc) =	sbr.rel .LBB2_1-.Ltmp0, $4  }
0x9: {  	s5 =	sshll.u32 s3, $0x1;
	s6 =	sadd.s32 $0x400, s0;
	s8 =	sshrl.u32 s7, $0x1  }
0xa: {  	_ =	strace $0x80000047;
	s5 =	sor.u32 s2, s5;
	s29 =	ssub.s32 s7, s8  }
0xb: {  	s2 =	simm.s32 $0x0;
	s30 =	sand.u32 $0x3, s5;
	s31 =	smax.u32 s29, $0x1  }
0xc: {  	v0 =	vimm.s32 $0x0;
	v1 =	vlaneseq.u32;
	v2 =	vimm.s32 $0x1;
	s7 =	sadd.s32 $0x4400, s0;
	p0 =	sne.s32 s30, $0x0;
	[dreg:$0x4] =	wrdreg s31  }
.LBB2_34:
0xd: {  	s2 =	rddreg [dreg:$0x5]  }
0xe: {  	s0 =	rddreg [dreg:$0x4];
	s2 =	sadd.s32 $0x1, s2  }
0xf: {  	p1 =	sne.s32 s2, s0  }
.Ltmp1:
0x10: {  	_ = 	snop;
	(pc) =	sbr.rel @!p1 .LBB2_35-.Ltmp1, $1  }
0x11: {  	_ =	sdelay $0x3  }
.LBB2_1:
.Ltmp2:
0x12: {  	(pc) =	sbr.rel .LBB2_2-.Ltmp2, $2  }
0x13: {  	_ =	sdelay $0x2  }
0x14: {  	[dreg:$0x5] =	wrdreg s2;
	s21 =	simm.s32 $0x0  }
.LBB2_31:
0x15: {  	[tilespmem:s17], [sflag:$0x1] =	stream.linear.gather [hbm4b:s2+s4], $0x400, $0x38;
	[tilespmem:$0x1B580] =	vst v63  }
0x16: {  	_ =	swait.ge [sflag:s9], $0x400  }
0x17: {  	[sflag:s9] =	ssyncset.done $0x0  }
0x18: {  	[sflag:s9] =	ssyncadd.s32 $0xFFFFFC00  }
.LBB2_32:
0x19: {  	s0 =	sshll.u32 s22, $0xC;
	s2 =	rddreg [dreg:$0x2]  }
0x1a: {  	s0 =	sadd.s32 s2, s0  }
0x1b: {  	[hbm4b:s0+s4] =	stream.linear.scatter [tilespmem:s18], [sflag:$0x3], $0x8000, $0x38;
	[tilespmem:$0x1B580] =	vst v63  }
0x1c: {  	_ =	swait.ge [sflag:s19], $0x8000  }
0x1d: {  	[sflag:s19] =	ssyncset.done $0x0  }
0x1e: {  	[sflag:s19] =	ssyncadd.s32 $0xFFFF8000  }
.LBB2_33:
0x1f: {  	s21 =	sadd.s32 $0x1, s21  }
0x20: {  	p1 =	sne.s32 s21, $0x4  }
.Ltmp3:
0x21: {  	_ = 	snop;
	(pc) =	sbr.rel @!p1 .LBB2_34-.Ltmp3, $1  }
0x22: {  	_ =	sdelay $0x3  }
.LBB2_2:
0x23: {  	s0 =	sshll.u32 s21, $0x5  }
0x24: {  	s22 =	sor.u32 s5, s0  }
0x25: {  	p1 =	sgt.u32 s22, $0x67  }
.Ltmp4:
0x26: {  	_ = 	snop;
	(pc) =	sbr.rel @p1 .LBB2_33-.Ltmp4, $1  }
0x27: {  	_ =	sdelay $0x3  }
0x28: {  	p1 =	seq.s32 s22, $0x0;
	s28 =	smul.u32 $0xC3800, s22  }
0x29: {  	s0 =	sshrl.u32 s22, $0x2;
	p1 =	por !p0, !p1  }
0x2a: {  	s2 =	simm.s32 $0x1;
	p1 =	por !p1, !p1;
	s8 =	sshrl.u32 s28, $0x3  }
0x2b: {  	s30 =	simm.s32 $0x0;
	s2 =	simm.s32 @!p1 $0x0;
	s24 =	sadd.s32 s1, s8  }
0x2c: {  	[tilespmem:s10], [sflag:$0x1] =	stream.linear.gather [hbm4b:s24+s30], $0x8000, $0x38;
	[tilespmem:$0x1B580] =	vst v63  }
0x2d: {  	s0 =	ssub.s32 s0, s2  }
0x2e: {  	s31 =	sadd.s32 $0x1000, s24;
	s0 =	sshll.u32 s0, $0x9  }
0x2f: {  	[tilespmem:s11], [sflag:$0x2] =	stream.linear.gather [hbm4b:s31+s30], $0x8000, $0x38;
	[tilespmem:$0x1B580] =	vst v63  }
0x30: {  	s0 =	sand.u32 $0x1FFFFE00, s0  }
0x31: {  	s0 =	sadd.s32 s6, s0  }
0x32: {  	[tilespmem:s30], [sflag:$0x4] =	stream.linear.gather [hbm4b:s0+s30], $0x1000, $0x38;
	[tilespmem:$0x1B580] =	vst v63  }
0x33: {  	_ =	swait.ge [sflag:s12], $0x1000  }
0x34: {  	[sflag:s12] =	ssyncset.done $0x0  }
0x35: {  	[sflag:s12] =	ssyncadd.s32 $0xFFFFF000  }
0x36: {  	[tilespmem:$0xB100] =	vst v0  }
0x37: {  	[tilespmem:$0xB110] =	vst v0  }
0x38: {  	[tilespmem:$0xB120] =	vst v0  }
0x39: {  	[tilespmem:$0xB130] =	vst v0  }
0x3a: {  	[tilespmem:$0xB140] =	vst v0  }
0x3b: {  	[tilespmem:$0xB150] =	vst v0  }
0x3c: {  	s2 =	simm.s32 $0x0;
	s0 =	simm.s32 $0x40;
	[tilespmem:$0xB160] =	vst v0  }
.LBB2_4:
0x3d: {  	p1 =	sne.s32 s0, $0x3FC0;
	v3 =	vld [tilespmem:s2+$0x0];
	_ =	sdelay $0x4  }
0x3e: {  	v3 =	vshrl.u32 v3, $0xA  }
0x3f: {  	v3 =	vand.u32 $0x3FFFF0, v3  }
0x40: {  	v3 =	vor.u32 v1, v3  }
.Ltmp5:
0x41: {  	(pc) =	sbr.rel @p1 .LBB2_4-.Ltmp5, $2  }
0x42: {  	_ =	sdelay $0x2  }
0x43: {  	s2 =	sshra.s32 s0, $0x2;
	s0 =	sadd.s32 $0x40, s0;
	[tilespmem:v3+s13+$0x0] =	vst.idx.add.s32.msk $0xffff, v2  }
0x44: {  	v3 =	vld [tilespmem:s2+$0x0];
	_ =	sdelay $0x4  }
0x45: {  	v3 =	vshrl.u32 v3, $0xA  }
0x46: {  	v3 =	vand.u32 $0x3FFFF0, v3  }
0x47: {  	v3 =	vor.u32 v1, v3;
	_ =	sdelay $0x4  }
0x48: {  	[tilespmem:v3+s13+$0x0] =	vst.idx.add.s32.msk $0xffff, v2  }
0x49: {  	v3 =	vld [tilespmem:$0xB100]  }
0x4a: {  	v4 =	vld [tilespmem:$0xB110];
	_ =	sdelay $0x1  }
0x4b: {  	v5 =	vld [tilespmem:$0xB120]  }
0x4c: {  	v6 =	vld [tilespmem:$0xB130]  }
0x4d: {  	v7 =	vld [tilespmem:$0xB140];
	(xrf0) =	vadd.scan.msk.s32 $0xffff, v3  }
0x4e: {  	v3 =	vld [tilespmem:$0xB150];
	(xrf0) =	vadd.scan.msk.s32 $0xffff, v4  }
0x4f: {  	v4 =	vld [tilespmem:$0xB160]  }
0x50: {  	(xrf0) =	vadd.scan.msk.s32 $0xffff, v5  }
0x51: {  	(xrf0) =	vadd.scan.msk.s32 $0xffff, v6  }
0x52: {  	(xrf0) =	vadd.scan.msk.s32 $0xffff, v7  }
0x53: {  	(xrf0) =	vadd.scan.msk.s32 $0xffff, v3;
	v3, _, _ =	vpop (xrf0)  }
0x54: {  	s0 =	simm.s32 $0x0;
	(xrf0) =	vadd.scan.msk.s32 $0xffff, v4;
	v4, _, _ =	vpop (xrf0);
	(v2sf) =	vpush v3, $0xF  }
0x55: {  	v12 =	vld [tilespmem:s0+$0x0];
	(v2sf) =	vpush v4, $0xF  }
0x56: {  	v5, _, _ =	vpop (xrf0)  }
0x57: {  	(v2sf) =	vpush v5, $0xF  }
0x58: {  	v4, _, _ =	vpop (xrf0)  }
0x59: {  	(v2sf) =	vpush v4, $0xF  }
0x5a: {  	v10 =	vshrl.u32 v12, $0xE;
	v5, _, _ =	vpop (xrf0)  }
0x5b: {  	vm4 =	veq.s32 v10, $0x0;
	(v2sf) =	vpush v5, $0xF  }
0x5c: {  	v11 =	vsel vm4, $0x1, v0;
	v4, _, _ =	vpop (xrf0)  }
0x5d: {  	vm3 =	veq.s32 v10, $0x1;
	(v2sf) =	vpush v4, $0xF;
	v4, _, _ =	vpop (xrf0);
	(xrf0) =	vadd.scan.msk.s32 $0xffff, v11  }
0x5e: {  	v11 =	vsel vm3, $0x1, v0  }
0x5f: {  	vm2 =	veq.s32 v10, $0x2;
	(xrf0) =	vadd.scan.msk.s32 $0xffff, v11  }
0x60: {  	vm1 =	veq.s32 v10, $0x3;
	v11 =	vsel vm2, $0x1, v0  }
0x61: {  	v13 =	vsel vm1, $0x1, v0;
	(v2sf) =	vpush v4, $0xF;
	(xrf0) =	vadd.scan.msk.s32 $0xffff, v11  }
0x62: {  	v4 =	vbroadcast v3, $0xF;
	v3 =	vimm.s32 $0x0;
	v11 =	vsel vm4, $0xFFFFFFFF, v0  }
0x63: {  	vm5 =	veq.s32 v10, $0x4;
	v11 =	vadd.s32 v11, v3;
	v14, _, _ =	vpop (xrf0);
	(xrf0) =	vadd.scan.msk.s32 $0xffff, v13;
	s29 =	spop (v2sf)  }
0x64: {  	v42 =	vsel vm3, $0xFFFFFFFF, v0;
	v43 =	vsel vm5, $0x1, v0;
	v11 =	vadd.s32 v14, v11;
	s8 =	spop (v2sf)  }
0x65: {  	vm6 =	veq.s32 v10, $0x5;
	v44 =	vsel vm2, $0xFFFFFFFF, v0;
	v13 =	vadd.s32 v42, v4;
	v15, _, _ =	vpop (xrf0);
	(xrf0) =	vadd.scan.msk.s32 $0xffff, v43;
	s2 =	sadd.s32 s29, s8  }
0x66: {  	v45 =	vsel vm6, $0x1, v0;
	v13 =	vadd.s32 v15, v13;
	s20 =	spop (v2sf);
	v5 =	vmov s2  }
0x67: {  	vm0 =	veq.s32 v10, $0x6;
	v46 =	vsel vm1, $0xFFFFFFFF, v0;
	v10, _, _ =	vpop (xrf0);
	(xrf0) =	vadd.scan.msk.s32 $0xffff, v45;
	s20 =	sadd.s32 s2, s20;
	v14 =	vadd.s32 v44, v5  }
0x68: {  	v16 =	vsel vm0, $0x1, v0;
	s30 =	spop (v2sf);
	v9 =	vmov s20;
	v14 =	vadd.s32 v10, v14  }
0x69: {  	[tilespmem:v11+s14+$0x0] =	vst.idx.msk vm4, v12;
	v17, _, _ =	vpop (xrf0);
	(xrf0) =	vadd.scan.msk.s32 $0xffff, v16;
	s8 =	sadd.s32 s20, s30;
	v10 =	vor.u32 s0, v1;
	v15 =	vadd.s32 v46, v9  }
0x6a: {  	v47 =	vsel vm5, $0xFFFFFFFF, v0;
	s23 =	spop (v2sf);
	v7 =	vmov s8;
	[tilespmem:v11+s15+$0x0] =	vst.idx.msk vm4, v10;
	v11 =	vadd.s32 v17, v15  }
0x6b: {  	v49, _, _ =	vpop (xrf0);
	s26 =	sadd.s32 s8, s23;
	v48 =	vadd.s32 v47, v7;
	[tilespmem:v13+s14+$0x0] =	vst.idx.msk vm3, v12  }
0x6c: {  	v50 =	vsel vm6, $0xFFFFFFFF, v0;
	s25 =	spop (v2sf);
	v6 =	vmov s26;
	v51 =	vadd.s32 v49, v48;
	[tilespmem:v13+s15+$0x0] =	vst.idx.msk vm3, v10  }
0x6d: {  	v53, _, _ =	vpop (xrf0);
	s23 =	sadd.s32 s26, s25;
	v52 =	vadd.s32 v50, v6;
	[tilespmem:v14+s14+$0x0] =	vst.idx.msk vm2, v12  }
0x6e: {  	[smem:$0x0] =	sst s0;
	v54 =	vsel vm0, $0xFFFFFFFF, v0;
	v8 =	vmov s23;
	v55 =	vadd.s32 v53, v52;
	[tilespmem:v14+s15+$0x0] =	vst.idx.msk vm2, v10  }
0x6f: {  	[smem:$0x1] =	sst s29;
	v57 =	vadd.s32 v54, v8;
	v58, _, _ =	vpop (xrf0);
	[tilespmem:v11+s14+$0x0] =	vst.idx.msk vm1, v12  }
0x70: {  	v56 =	vmpcnt.ones.xlane vm4;
	v18 =	vmpcnt.ones.xlane vm3;
	[smem:$0x2] =	sst s2;
	[tilespmem:v11+s15+$0x0] =	vst.idx.msk vm1, v10;
	v11 =	vadd.s32 v58, v57  }
0x71: {  	v59 =	vmpcnt.ones.xlane vm2;
	v60 =	vmpcnt.ones.xlane vm5;
	[smem:$0x3] =	sst s20;
	[tilespmem:v51+s14+$0x0] =	vst.idx.msk vm5, v12  }
0x72: {  	v61 =	vmpcnt.ones.xlane vm6;
	v62 =	vmpcnt.ones.xlane vm1;
	v3 =	vadd.s32 v3, v56;
	[smem:$0x4] =	sst s8;
	[tilespmem:v51+s15+$0x0] =	vst.idx.msk vm5, v10  }
0x73: {  	v63 =	vmpcnt.ones.xlane vm0;
	v4 =	vadd.s32 v4, v18;
	v5 =	vadd.s32 v5, v59;
	[smem:$0x5] =	sst s26;
	s31 =	spop (v2sf);
	[tilespmem:v55+s14+$0x0] =	vst.idx.msk vm6, v12  }
0x74: {  	v9 =	vadd.s32 v9, v62;
	v7 =	vadd.s32 v7, v60;
	[smem:$0x6] =	sst s23;
	s25 =	sadd.s32 s23, s31;
	[tilespmem:v55+s15+$0x0] =	vst.idx.msk vm6, v10  }
0x75: {  	s2 =	simm.s32 $0x10;
	v6 =	vadd.s32 v6, v61;
	[smem:$0x7] =	sst s25;
	v8 =	vadd.s32 v8, v63;
	[tilespmem:v11+s14+$0x0] =	vst.idx.msk vm0, v12  }
.LBB2_6:
0x76: {  	p1 =	seq.s32 s2, $0xFF0  }
0x77: {  	[tilespmem:v11+s15+$0x0] =	vst.idx.msk vm0, v10;
	s0 =	sadd.s32 $0x10, s0;
	v11 =	vmovc v3;
	v12 =	vmovc v4;
	v13 =	vmov v5;
	v14 =	vmov v6;
	v15 =	vmov v8;
	s8 =	smov.u32 s2;
	s2 =	sadd.s32 $0x10, s2  }
0x78: {  	v16 =	vld [tilespmem:s0+$0x0];
	_ =	sdelay $0x4  }
0x79: {  	v17 =	vshrl.u32 v16, $0xE  }
0x7a: {  	vm4 =	veq.s32 v17, $0x0  }
0x7b: {  	v18 =	vsel vm4, $0xFFFFFFFF, v0;
	v10 =	vsel vm4, $0x1, v0;
	v19 =	vmpcnt.ones.xlane vm4  }
0x7c: {  	vm2 =	veq.s32 v17, $0x1;
	(xrf0) =	vadd.scan.msk.s32 $0xffff, v10  }
0x7d: {  	v20 =	vsel vm2, $0xFFFFFFFF, v0;
	v21 =	vmpcnt.ones.xlane vm2;
	v10 =	vsel vm2, $0x1, v0  }
0x7e: {  	vm1 =	veq.s32 v17, $0x2;
	v3 =	vadd.s32 v3, v19;
	(xrf0) =	vadd.scan.msk.s32 $0xffff, v10  }
0x7f: {  	v22 =	vmpcnt.ones.xlane vm1;
	v19 =	vsel vm1, $0xFFFFFFFF, v0;
	v10 =	vsel vm1, $0x1, v0  }
0x80: {  	vm3 =	veq.s32 v17, $0x3;
	v4 =	vadd.s32 v4, v21;
	(xrf0) =	vadd.scan.msk.s32 $0xffff, v10  }
0x81: {  	v5 =	vadd.s32 v5, v22;
	v21 =	vsel vm3, $0x1, v0;
	v22 =	vmpcnt.ones.xlane vm3  }
0x82: {  	vm5 =	veq.s32 v17, $0x4;
	v11 =	vadd.s32 v18, v11;
	v10 =	vor.u32 s8, v1;
	v18, _, _ =	vpop (xrf0);
	(xrf0) =	vadd.scan.msk.s32 $0xffff, v21  }
0x83: {  	v21 =	vsel vm5, $0x1, v0;
	v11 =	vadd.s32 v18, v11;
	v18 =	vsel vm5, $0xFFFFFFFF, v0  }
0x84: {  	vm6 =	veq.s32 v17, $0x5;
	v12 =	vadd.s32 v20, v12;
	v20 =	vmpcnt.ones.xlane vm5;
	v23, _, _ =	vpop (xrf0);
	(xrf0) =	vadd.scan.msk.s32 $0xffff, v21  }
0x85: {  	v21 =	vsel vm6, $0xFFFFFFFF, v0;
	v12 =	vadd.s32 v23, v12;
	v23 =	vsel vm6, $0x1, v0  }
0x86: {  	vm0 =	veq.s32 v17, $0x6;
	v13 =	vadd.s32 v19, v13;
	v19 =	vmpcnt.ones.xlane vm6;
	v17, _, _ =	vpop (xrf0);
	(xrf0) =	vadd.scan.msk.s32 $0xffff, v23  }
0x87: {  	v23 =	vsel vm0, $0x1, v0;
	v13 =	vadd.s32 v17, v13;
	v17 =	vsel vm3, $0xFFFFFFFF, v0  }
0x88: {  	v24 =	vsel vm0, $0xFFFFFFFF, v0;
	[tilespmem:v11+s14+$0x0] =	vst.idx.msk vm4, v16;
	v17 =	vadd.s32 v17, v9;
	v25, _, _ =	vpop (xrf0);
	(xrf0) =	vadd.scan.msk.s32 $0xffff, v23  }
0x89: {  	v6 =	vadd.s32 v6, v19;
	v23 =	vmpcnt.ones.xlane vm0;
	[tilespmem:v11+s15+$0x0] =	vst.idx.msk vm4, v10;
	v11 =	vadd.s32 v25, v17  }
0x8a: {  	v18 =	vadd.s32 v18, v7;
	v7 =	vadd.s32 v7, v20;
	[tilespmem:v12+s14+$0x0] =	vst.idx.msk vm2, v16;
	v19, _, _ =	vpop (xrf0)  }
0x8b: {  	v8 =	vadd.s32 v8, v23;
	[tilespmem:v12+s15+$0x0] =	vst.idx.msk vm2, v10;
	v12 =	vadd.s32 v19, v18  }
0x8c: {  	v14 =	vadd.s32 v21, v14;
	v9 =	vadd.s32 v9, v22;
	[tilespmem:v13+s14+$0x0] =	vst.idx.msk vm1, v16;
	v17, _, _ =	vpop (xrf0)  }
0x8d: {  	[tilespmem:v13+s15+$0x0] =	vst.idx.msk vm1, v10;
	v13 =	vadd.s32 v17, v14  }
0x8e: {  	v14 =	vadd.s32 v24, v15;
	[tilespmem:v11+s14+$0x0] =	vst.idx.msk vm3, v16;
	v15, _, _ =	vpop (xrf0)  }
0x8f: {  	[tilespmem:v11+s15+$0x0] =	vst.idx.msk vm3, v10;
	v11 =	vadd.s32 v15, v14  }
.Ltmp6:
0x90: {  	[tilespmem:v12+s14+$0x0] =	vst.idx.msk vm5, v16;
	(pc) =	sbr.rel @!p1 .LBB2_6-.Ltmp6, $4  }
0x91: {  	[tilespmem:v12+s15+$0x0] =	vst.idx.msk vm5, v10  }
0x92: {  	[tilespmem:v13+s14+$0x0] =	vst.idx.msk vm6, v16  }
0x93: {  	[tilespmem:v13+s15+$0x0] =	vst.idx.msk vm6, v10  }
0x94: {  	[tilespmem:v11+s14+$0x0] =	vst.idx.msk vm0, v16  }
0x95: {  	_ =	sdelay $0x4  }
0x96: {  	[tilespmem:v11+s15+$0x0] =	vst.idx.msk vm0, v10;
	s26 =	sadd.s32 $0x10000, s28;
	s28 =	sadd.s32 $0x18000, s28;
	s29 =	simm.s32 $0x0  }
.LBB2_8:
0x97: {  	_ =	swait.ge [sflag:s9], $0x8000  }
0x98: {  	[sflag:s9] =	ssyncset.done $0x0  }
0x99: {  	s0 =	sshrl.u32 s29, $0x1;
	[sflag:s9] =	ssyncadd.s32 $0xFFFF8000  }
0x9a: {  	s30 =	sld [smem:s0+$0x0]  }
0x9b: {  	s0 =	sld [smem:s0+$0x1];
	_ =	sdelay $0x2  }
0x9c: {  	s2 =	ssub.s32 s0, s30  }
0x9d: {  	s2 =	sadd.s32 $0xF, s2  }
0x9e: {  	s31 =	sshrl.u32 s2, $0x4  }
0x9f: {  	p1 =	seq.s32 s31, $0x0  }
.Ltmp7:
0xa0: {  	_ = 	snop;
	(pc) =	sbr.rel @p1 .LBB2_14-.Ltmp7, $2  }
0xa1: {  	_ =	sdelay $0x2  }
0xa2: {  	s2 =	sshll.u32 s29, $0x1  }
0xa3: {  	p3 =	sne.s32 s31, $0x1  }
.Ltmp8:
0xa4: {  	_ = 	snop;
	(pc) =	sbr.rel @!p3 .LBB2_10-.Ltmp8, $3  }
0xa5: {  	_ =	sdelay $0x1  }
0xa6: {  	v4 =	vmov s0;
	v5 =	vadd.s32 s30, v1  }
0xa7: {  	v3 =	vmov s2;
	s20 =	sadd.s32 $0xFFFFFFFF, s31;
	p2 =	por $0x0, $0x0;
	vm1 =	vlt.s32 v5, v4  }
0xa8: {  	_ =	sdelay $0x4  }
0xa9: {  	v6 =	vld.idx.msk [tilespmem:v5+s14+$0x0], vm1;
	_ =	sdelay $0x4  }
0xaa: {  	v7 =	vshrl.u32 v6, $0xC;
	vm0 =	vlt.s32 v6, $0x18680  }
0xab: {  	v5 =	vld.idx.msk [tilespmem:v5+s15+$0x0], vm1;
	v8 =	vshll.u32 v6, $0x3;
	vm2 =	veq.s32 v7, v3;
	vm0 =	vmand vm0, vm1  }
0xac: {  	v6 =	vand.u32 $0x7F, v6;
	v7 =	vand.u32 $0x7C00, v8;
	vm0 =	vmand vm0, vm2  }
0xad: {  	v6 =	vor.u32 v6, v7;
	_ =	sdelay $0x2  }
0xae: {  	v7 =	vshll.u32 v5, $0x3  }
0xaf: {  	v5 =	vand.u32 $0x7F, v5;
	v7 =	vand.u32 $0xFFFFFC00, v7  }
0xb0: {  	v7 =	vor.u32 v5, v7;
	v8 =	vld.idx.msk [tilespmem:v6+s10+$0x0], vm0  }
0xb1: {  	v5 =	vor.u32 $0x80, v6;
	_ =	sdelay $0x3  }
0xb2: {  	[tilespmem:v7+s18+$0x0] =	vst.idx.msk vm0, v8  }
0xb3: {  	v8 =	vor.u32 $0x80, v7;
	v5 =	vld.idx.msk [tilespmem:v5+s10+$0x0], vm0  }
0xb4: {  	v9 =	vor.u32 $0x100, v6;
	_ =	sdelay $0x3  }
0xb5: {  	[tilespmem:v8+s18+$0x0] =	vst.idx.msk vm0, v5  }
0xb6: {  	v8 =	vor.u32 $0x100, v7;
	v5 =	vld.idx.msk [tilespmem:v9+s10+$0x0], vm0  }
0xb7: {  	v60 =	vor.u32 $0x180, v6;
	_ =	sdelay $0x3  }
0xb8: {  	[tilespmem:v8+s18+$0x0] =	vst.idx.msk vm0, v5  }
0xb9: {  	v8 =	vor.u32 $0x180, v7;
	v5 =	vld.idx.msk [tilespmem:v60+s10+$0x0], vm0  }
0xba: {  	v61 =	vor.u32 $0x200, v6;
	_ =	sdelay $0x3  }
0xbb: {  	[tilespmem:v8+s18+$0x0] =	vst.idx.msk vm0, v5  }
0xbc: {  	v8 =	vor.u32 $0x200, v7;
	v5 =	vld.idx.msk [tilespmem:v61+s10+$0x0], vm0  }
0xbd: {  	v62 =	vor.u32 $0x280, v6;
	_ =	sdelay $0x3  }
0xbe: {  	[tilespmem:v8+s18+$0x0] =	vst.idx.msk vm0, v5  }
0xbf: {  	v8 =	vor.u32 $0x280, v7;
	v5 =	vld.idx.msk [tilespmem:v62+s10+$0x0], vm0  }
0xc0: {  	v63 =	vor.u32 $0x300, v6;
	_ =	sdelay $0x3  }
0xc1: {  	[tilespmem:v8+s18+$0x0] =	vst.idx.msk vm0, v5  }
0xc2: {  	v8 =	vor.u32 $0x300, v7;
	v5 =	vld.idx.msk [tilespmem:v63+s10+$0x0], vm0  }
0xc3: {  	p3 =	sne.s32 s20, $0x1;
	v6 =	vor.u32 $0x380, v6  }
.Ltmp9:
0xc4: {  	_ = 	snop;
	(pc) =	sbr.rel @!p3 .LBB2_13-.Ltmp9, $4  }
0xc5: {  	_ = 	snop  }
0xc6: {  	s8 =	sadd.s32 $0x10, s30  }
0xc7: {  	[tilespmem:v8+s18+$0x0] =	vst.idx.msk vm0, v5;
	v5 =	vadd.s32 s8, v1  }
0xc8: {  	s20 =	sadd.s32 $0xFFFFFFFF, s20;
	p2 =	por $0x1, $0x1;
	v7 =	vor.u32 $0x380, v7;
	v6 =	vld.idx.msk [tilespmem:v6+s10+$0x0], vm0;
	vm1 =	vlt.s32 v5, v4  }
.LBB2_12:
0xc9: {  	_ =	sdelay $0x3  }
0xca: {  	p3 =	sne.s32 s20, $0x1;
	s20 =	sadd.s32 $0xFFFFFFFF, s20;
	[tilespmem:v7+s18+$0x0] =	vst.idx.msk vm0, v6  }
0xcb: {  	v6 =	vld.idx.msk [tilespmem:v5+s14+$0x0], vm1;
	_ =	sdelay $0x5  }
0xcc: {  	v7 =	vshrl.u32 v6, $0xC;
	vm0 =	vlt.s32 v6, $0x18680;
	v8 =	vshll.u32 v6, $0x3  }
0xcd: {  	vm2 =	veq.s32 v7, v3;
	vm0 =	vmand vm0, vm1;
	v7 =	vand.u32 $0x7C00, v8;
	v5 =	vld.idx.msk [tilespmem:v5+s15+$0x0], vm1  }
0xce: {  	v6 =	vand.u32 $0x7F, v6;
	vm0 =	vmand vm0, vm2  }
0xcf: {  	v6 =	vor.u32 v6, v7;
	_ =	sdelay $0x3  }
0xd0: {  	v7 =	vand.u32 $0x7F, v5;
	v5 =	vshll.u32 v5, $0x3  }
0xd1: {  	v5 =	vand.u32 $0xFFFFFC00, v5;
	v8 =	vld.idx.msk [tilespmem:v6+s10+$0x0], vm0  }
0xd2: {  	v7 =	vor.u32 v7, v5  }
0xd3: {  	v5 =	vor.u32 $0x80, v6;
	_ =	sdelay $0x3  }
0xd4: {  	[tilespmem:v7+s18+$0x0] =	vst.idx.msk vm0, v8  }
0xd5: {  	v5 =	vld.idx.msk [tilespmem:v5+s10+$0x0], vm0  }
0xd6: {  	v8 =	vor.u32 $0x80, v7  }
0xd7: {  	v9 =	vor.u32 $0x100, v6;
	_ =	sdelay $0x3  }
0xd8: {  	[tilespmem:v8+s18+$0x0] =	vst.idx.msk vm0, v5  }
0xd9: {  	v5 =	vld.idx.msk [tilespmem:v9+s10+$0x0], vm0  }
0xda: {  	v8 =	vor.u32 $0x100, v7  }
0xdb: {  	v9 =	vor.u32 $0x180, v6;
	_ =	sdelay $0x3  }
0xdc: {  	[tilespmem:v8+s18+$0x0] =	vst.idx.msk vm0, v5  }
0xdd: {  	v5 =	vld.idx.msk [tilespmem:v9+s10+$0x0], vm0  }
0xde: {  	v8 =	vor.u32 $0x180, v7  }
0xdf: {  	v9 =	vor.u32 $0x200, v6;
	_ =	sdelay $0x3  }
0xe0: {  	[tilespmem:v8+s18+$0x0] =	vst.idx.msk vm0, v5  }
0xe1: {  	v5 =	vld.idx.msk [tilespmem:v9+s10+$0x0], vm0  }
0xe2: {  	v8 =	vor.u32 $0x200, v7  }
0xe3: {  	v9 =	vor.u32 $0x280, v6;
	_ =	sdelay $0x3  }
0xe4: {  	[tilespmem:v8+s18+$0x0] =	vst.idx.msk vm0, v5  }
0xe5: {  	v5 =	vld.idx.msk [tilespmem:v9+s10+$0x0], vm0  }
0xe6: {  	v8 =	vor.u32 $0x280, v7  }
0xe7: {  	v9 =	vor.u32 $0x300, v6;
	_ =	sdelay $0x3  }
0xe8: {  	[tilespmem:v8+s18+$0x0] =	vst.idx.msk vm0, v5  }
0xe9: {  	v5 =	vld.idx.msk [tilespmem:v9+s10+$0x0], vm0  }
0xea: {  	v8 =	vor.u32 $0x300, v7  }
0xeb: {  	v6 =	vor.u32 $0x380, v6;
	_ =	sdelay $0x1  }
.Ltmp10:
0xec: {  	(pc) =	sbr.rel @p3 .LBB2_12-.Ltmp10, $4  }
0xed: {  	_ = 	snop  }
0xee: {  	s8 =	sadd.s32 $0x10, s8;
	[tilespmem:v8+s18+$0x0] =	vst.idx.msk vm0, v5  }
0xef: {  	v5 =	vadd.s32 s8, v1;
	v6 =	vld.idx.msk [tilespmem:v6+s10+$0x0], vm0  }
0xf0: {  	v7 =	vor.u32 $0x380, v7;
	vm1 =	vlt.s32 v5, v4  }
.LBB2_13:
0xf1: {  	_ =	sdelay $0x4  }
0xf2: {  	[tilespmem:v7+s18+$0x0] =	vst.idx.msk @p2 vm0, v6  }
0xf3: {  	v4 =	vld.idx.msk [tilespmem:v5+s14+$0x0], vm1;
	_ =	sdelay $0x4  }
0xf4: {  	v47 =	vshrl.u32 v4, $0xC;
	vm15 =	vlt.s32 v4, $0x18680  }
0xf5: {  	v49 =	vld.idx.msk [tilespmem:v5+s15+$0x0], vm1;
	v48 =	vshll.u32 v4, $0x3;
	vm2 =	veq.s32 v47, v3;
	vm0 =	vmand vm15, vm1  }
0xf6: {  	v4 =	vand.u32 $0x7F, v4;
	v3 =	vand.u32 $0x7C00, v48;
	vm0 =	vmand vm0, vm2  }
0xf7: {  	v3 =	vor.u32 v4, v3;
	_ =	sdelay $0x2  }
0xf8: {  	v50 =	vshll.u32 v49, $0x3  }
0xf9: {  	v5 =	vand.u32 $0x7F, v49;
	v4 =	vand.u32 $0xFFFFFC00, v50  }
0xfa: {  	v4 =	vor.u32 v5, v4;
	v51 =	vld.idx.msk [tilespmem:v3+s10+$0x0], vm0  }
0xfb: {  	v52 =	vor.u32 $0x80, v3;
	_ =	sdelay $0x3  }
0xfc: {  	[tilespmem:v4+s18+$0x0] =	vst.idx.msk vm0, v51  }
0xfd: {  	v53 =	vor.u32 $0x80, v4;
	v5 =	vld.idx.msk [tilespmem:v52+s10+$0x0], vm0  }
0xfe: {  	v54 =	vor.u32 $0x100, v3;
	_ =	sdelay $0x3  }
0xff: {  	[tilespmem:v53+s18+$0x0] =	vst.idx.msk vm0, v5  }
0x100: {  	v55 =	vor.u32 $0x100, v4;
	v5 =	vld.idx.msk [tilespmem:v54+s10+$0x0], vm0  }
0x101: {  	v56 =	vor.u32 $0x180, v3;
	_ =	sdelay $0x3  }
0x102: {  	[tilespmem:v55+s18+$0x0] =	vst.idx.msk vm0, v5  }
0x103: {  	v57 =	vor.u32 $0x180, v4;
	v5 =	vld.idx.msk [tilespmem:v56+s10+$0x0], vm0  }
0x104: {  	v58 =	vor.u32 $0x200, v3;
	_ =	sdelay $0x3  }
0x105: {  	[tilespmem:v57+s18+$0x0] =	vst.idx.msk vm0, v5  }
0x106: {  	v59 =	vor.u32 $0x200, v4;
	v5 =	vld.idx.msk [tilespmem:v58+s10+$0x0], vm0  }
0x107: {  	v60 =	vor.u32 $0x280, v3;
	_ =	sdelay $0x3  }
0x108: {  	[tilespmem:v59+s18+$0x0] =	vst.idx.msk vm0, v5  }
0x109: {  	v61 =	vor.u32 $0x280, v4;
	v5 =	vld.idx.msk [tilespmem:v60+s10+$0x0], vm0  }
0x10a: {  	v62 =	vor.u32 $0x300, v3;
	_ =	sdelay $0x3  }
0x10b: {  	[tilespmem:v61+s18+$0x0] =	vst.idx.msk vm0, v5  }
0x10c: {  	v63 =	vor.u32 $0x300, v4;
	v5 =	vld.idx.msk [tilespmem:v62+s10+$0x0], vm0  }
0x10d: {  	v3 =	vor.u32 $0x380, v3;
	_ =	sdelay $0x3  }
0x10e: {  	[tilespmem:v63+s18+$0x0] =	vst.idx.msk vm0, v5  }
0x10f: {  	v4 =	vor.u32 $0x380, v4;
	v3 =	vld.idx.msk [tilespmem:v3+s10+$0x0], vm0;
	_ =	sdelay $0x4  }
0x110: {  	[tilespmem:v4+s18+$0x0] =	vst.idx.msk vm0, v3  }
.LBB2_14:
0x111: {  	p2 =	seq.s32 s29, $0xB  }
0x112: {  	s8 =	sshll.u32 @!p2 s29, $0x10  }
0x113: {  	s8 =	sadd.s32 @!p2 s8, s26  }
0x114: {  	s20 =	simm.s32 @!p2 $0x0;
	s8 =	sshrl.u32 @!p2 s8, $0x3  }
.Ltmp11:
0x115: {  	s3 =	simm.s32 @!p2 $0xB180;
	s8 =	sadd.s32 @!p2 s1, s8;
	(pc) =	sbr.rel @p1 .LBB2_20-.Ltmp11, $4  }
0x116: {  	[tilespmem:s3], [sflag:$0x1] =	stream.linear.gather @!p2 [hbm4b:s8+s20], $0x8000, $0x38;
	[tilespmem:$0x1B580] =	vst v63  }
0x117: {  	_ =	swait.ge [sflag:s16], $0x8000  }
0x118: {  	[sflag:s16] =	ssyncset.done $0x0  }
0x119: {  	[sflag:s16] =	ssyncadd.s32 $0xFFFF8000  }
0x11a: {  	p3 =	sne.s32 s31, $0x1  }
.Ltmp12:
0x11b: {  	_ = 	snop;
	(pc) =	sbr.rel @!p3 .LBB2_16-.Ltmp12, $3  }
0x11c: {  	_ =	sdelay $0x1  }
0x11d: {  	s2 =	sor.u32 $0x1, s2;
	v4 =	vmov s0;
	v5 =	vadd.s32 s30, v1  }
0x11e: {  	p1 =	por $0x0, $0x0;
	v3 =	vmov s2;
	s2 =	sadd.s32 $0xFFFFFFFF, s31;
	vm1 =	vlt.s32 v5, v4  }
0x11f: {  	_ =	sdelay $0x4  }
0x120: {  	v6 =	vld.idx.msk [tilespmem:v5+s14+$0x0], vm1;
	_ =	sdelay $0x4  }
0x121: {  	v7 =	vshrl.u32 v6, $0xC;
	vm0 =	vlt.s32 v6, $0x18680  }
0x122: {  	v5 =	vld.idx.msk [tilespmem:v5+s15+$0x0], vm1;
	v8 =	vshll.u32 v6, $0x3;
	vm2 =	veq.s32 v7, v3;
	vm0 =	vmand vm0, vm1  }
0x123: {  	v6 =	vand.u32 $0x7F, v6;
	v7 =	vand.u32 $0x7C00, v8;
	vm0 =	vmand vm0, vm2  }
0x124: {  	v6 =	vor.u32 v6, v7;
	_ =	sdelay $0x2  }
0x125: {  	v7 =	vshll.u32 v5, $0x3  }
0x126: {  	v5 =	vand.u32 $0x7F, v5;
	v7 =	vand.u32 $0xFFFFFC00, v7  }
0x127: {  	v7 =	vor.u32 v5, v7;
	v8 =	vld.idx.msk [tilespmem:v6+s11+$0x0], vm0  }
0x128: {  	v5 =	vor.u32 $0x80, v6;
	_ =	sdelay $0x3  }
0x129: {  	[tilespmem:v7+s18+$0x0] =	vst.idx.msk vm0, v8  }
0x12a: {  	v8 =	vor.u32 $0x80, v7;
	v5 =	vld.idx.msk [tilespmem:v5+s11+$0x0], vm0  }
0x12b: {  	v9 =	vor.u32 $0x100, v6;
	_ =	sdelay $0x3  }
0x12c: {  	[tilespmem:v8+s18+$0x0] =	vst.idx.msk vm0, v5  }
0x12d: {  	v8 =	vor.u32 $0x100, v7;
	v5 =	vld.idx.msk [tilespmem:v9+s11+$0x0], vm0  }
0x12e: {  	v60 =	vor.u32 $0x180, v6;
	_ =	sdelay $0x3  }
0x12f: {  	[tilespmem:v8+s18+$0x0] =	vst.idx.msk vm0, v5  }
0x130: {  	v8 =	vor.u32 $0x180, v7;
	v5 =	vld.idx.msk [tilespmem:v60+s11+$0x0], vm0  }
0x131: {  	v61 =	vor.u32 $0x200, v6;
	_ =	sdelay $0x3  }
0x132: {  	[tilespmem:v8+s18+$0x0] =	vst.idx.msk vm0, v5  }
0x133: {  	v8 =	vor.u32 $0x200, v7;
	v5 =	vld.idx.msk [tilespmem:v61+s11+$0x0], vm0  }
0x134: {  	v62 =	vor.u32 $0x280, v6;
	_ =	sdelay $0x3  }
0x135: {  	[tilespmem:v8+s18+$0x0] =	vst.idx.msk vm0, v5  }
0x136: {  	v8 =	vor.u32 $0x280, v7;
	v5 =	vld.idx.msk [tilespmem:v62+s11+$0x0], vm0  }
0x137: {  	v63 =	vor.u32 $0x300, v6;
	_ =	sdelay $0x3  }
0x138: {  	[tilespmem:v8+s18+$0x0] =	vst.idx.msk vm0, v5  }
0x139: {  	v8 =	vor.u32 $0x300, v7;
	v5 =	vld.idx.msk [tilespmem:v63+s11+$0x0], vm0  }
0x13a: {  	p3 =	sne.s32 s2, $0x1;
	v6 =	vor.u32 $0x380, v6  }
.Ltmp13:
0x13b: {  	_ = 	snop;
	(pc) =	sbr.rel @!p3 .LBB2_19-.Ltmp13, $4  }
0x13c: {  	_ = 	snop  }
0x13d: {  	s0 =	sadd.s32 $0x10, s30  }
0x13e: {  	[tilespmem:v8+s18+$0x0] =	vst.idx.msk vm0, v5;
	v5 =	vadd.s32 s0, v1  }
0x13f: {  	s2 =	sadd.s32 $0xFFFFFFFF, s2;
	p1 =	por $0x1, $0x1;
	v7 =	vor.u32 $0x380, v7;
	v6 =	vld.idx.msk [tilespmem:v6+s11+$0x0], vm0;
	vm1 =	vlt.s32 v5, v4  }
.LBB2_18:
0x140: {  	_ =	sdelay $0x3  }
0x141: {  	p3 =	sne.s32 s2, $0x1;
	s2 =	sadd.s32 $0xFFFFFFFF, s2;
	[tilespmem:v7+s18+$0x0] =	vst.idx.msk vm0, v6  }
0x142: {  	v6 =	vld.idx.msk [tilespmem:v5+s14+$0x0], vm1;
	_ =	sdelay $0x5  }
0x143: {  	v7 =	vshrl.u32 v6, $0xC;
	vm0 =	vlt.s32 v6, $0x18680;
	v8 =	vshll.u32 v6, $0x3  }
0x144: {  	vm2 =	veq.s32 v7, v3;
	vm0 =	vmand vm0, vm1;
	v7 =	vand.u32 $0x7C00, v8;
	v5 =	vld.idx.msk [tilespmem:v5+s15+$0x0], vm1  }
0x145: {  	v6 =	vand.u32 $0x7F, v6;
	vm0 =	vmand vm0, vm2  }
0x146: {  	v6 =	vor.u32 v6, v7;
	_ =	sdelay $0x3  }
0x147: {  	v7 =	vand.u32 $0x7F, v5;
	v5 =	vshll.u32 v5, $0x3  }
0x148: {  	v5 =	vand.u32 $0xFFFFFC00, v5;
	v8 =	vld.idx.msk [tilespmem:v6+s11+$0x0], vm0  }
0x149: {  	v7 =	vor.u32 v7, v5  }
0x14a: {  	v5 =	vor.u32 $0x80, v6;
	_ =	sdelay $0x3  }
0x14b: {  	[tilespmem:v7+s18+$0x0] =	vst.idx.msk vm0, v8  }
0x14c: {  	v5 =	vld.idx.msk [tilespmem:v5+s11+$0x0], vm0  }
0x14d: {  	v8 =	vor.u32 $0x80, v7  }
0x14e: {  	v9 =	vor.u32 $0x100, v6;
	_ =	sdelay $0x3  }
0x14f: {  	[tilespmem:v8+s18+$0x0] =	vst.idx.msk vm0, v5  }
0x150: {  	v5 =	vld.idx.msk [tilespmem:v9+s11+$0x0], vm0  }
0x151: {  	v8 =	vor.u32 $0x100, v7  }
0x152: {  	v9 =	vor.u32 $0x180, v6;
	_ =	sdelay $0x3  }
0x153: {  	[tilespmem:v8+s18+$0x0] =	vst.idx.msk vm0, v5  }
0x154: {  	v5 =	vld.idx.msk [tilespmem:v9+s11+$0x0], vm0  }
0x155: {  	v8 =	vor.u32 $0x180, v7  }
0x156: {  	v9 =	vor.u32 $0x200, v6;
	_ =	sdelay $0x3  }
0x157: {  	[tilespmem:v8+s18+$0x0] =	vst.idx.msk vm0, v5  }
0x158: {  	v5 =	vld.idx.msk [tilespmem:v9+s11+$0x0], vm0  }
0x159: {  	v8 =	vor.u32 $0x200, v7  }
0x15a: {  	v9 =	vor.u32 $0x280, v6;
	_ =	sdelay $0x3  }
0x15b: {  	[tilespmem:v8+s18+$0x0] =	vst.idx.msk vm0, v5  }
0x15c: {  	v5 =	vld.idx.msk [tilespmem:v9+s11+$0x0], vm0  }
0x15d: {  	v8 =	vor.u32 $0x280, v7  }
0x15e: {  	v9 =	vor.u32 $0x300, v6;
	_ =	sdelay $0x3  }
0x15f: {  	[tilespmem:v8+s18+$0x0] =	vst.idx.msk vm0, v5  }
0x160: {  	v5 =	vld.idx.msk [tilespmem:v9+s11+$0x0], vm0  }
0x161: {  	v8 =	vor.u32 $0x300, v7  }
0x162: {  	v6 =	vor.u32 $0x380, v6;
	_ =	sdelay $0x1  }
.Ltmp14:
0x163: {  	(pc) =	sbr.rel @p3 .LBB2_18-.Ltmp14, $4  }
0x164: {  	_ = 	snop  }
0x165: {  	s0 =	sadd.s32 $0x10, s0;
	[tilespmem:v8+s18+$0x0] =	vst.idx.msk vm0, v5  }
0x166: {  	v5 =	vadd.s32 s0, v1;
	v6 =	vld.idx.msk [tilespmem:v6+s11+$0x0], vm0  }
0x167: {  	v7 =	vor.u32 $0x380, v7;
	vm1 =	vlt.s32 v5, v4  }
.LBB2_19:
0x168: {  	_ =	sdelay $0x4  }
0x169: {  	[tilespmem:v7+s18+$0x0] =	vst.idx.msk @p1 vm0, v6  }
0x16a: {  	v4 =	vld.idx.msk [tilespmem:v5+s14+$0x0], vm1;
	_ =	sdelay $0x4  }
0x16b: {  	v47 =	vshrl.u32 v4, $0xC;
	vm15 =	vlt.s32 v4, $0x18680  }
0x16c: {  	v49 =	vld.idx.msk [tilespmem:v5+s15+$0x0], vm1;
	v48 =	vshll.u32 v4, $0x3;
	vm2 =	veq.s32 v47, v3;
	vm0 =	vmand vm15, vm1  }
0x16d: {  	v4 =	vand.u32 $0x7F, v4;
	v3 =	vand.u32 $0x7C00, v48;
	vm0 =	vmand vm0, vm2  }
0x16e: {  	v3 =	vor.u32 v4, v3;
	_ =	sdelay $0x2  }
0x16f: {  	v50 =	vshll.u32 v49, $0x3  }
0x170: {  	v5 =	vand.u32 $0x7F, v49;
	v4 =	vand.u32 $0xFFFFFC00, v50  }
0x171: {  	v4 =	vor.u32 v5, v4;
	v51 =	vld.idx.msk [tilespmem:v3+s11+$0x0], vm0  }
0x172: {  	v52 =	vor.u32 $0x80, v3;
	_ =	sdelay $0x3  }
0x173: {  	[tilespmem:v4+s18+$0x0] =	vst.idx.msk vm0, v51  }
0x174: {  	v53 =	vor.u32 $0x80, v4;
	v5 =	vld.idx.msk [tilespmem:v52+s11+$0x0], vm0  }
0x175: {  	v54 =	vor.u32 $0x100, v3;
	_ =	sdelay $0x3  }
0x176: {  	[tilespmem:v53+s18+$0x0] =	vst.idx.msk vm0, v5  }
0x177: {  	v55 =	vor.u32 $0x100, v4;
	v5 =	vld.idx.msk [tilespmem:v54+s11+$0x0], vm0  }
0x178: {  	v56 =	vor.u32 $0x180, v3;
	_ =	sdelay $0x3  }
0x179: {  	[tilespmem:v55+s18+$0x0] =	vst.idx.msk vm0, v5  }
0x17a: {  	v57 =	vor.u32 $0x180, v4;
	v5 =	vld.idx.msk [tilespmem:v56+s11+$0x0], vm0  }
0x17b: {  	v58 =	vor.u32 $0x200, v3;
	_ =	sdelay $0x3  }
0x17c: {  	[tilespmem:v57+s18+$0x0] =	vst.idx.msk vm0, v5  }
0x17d: {  	v59 =	vor.u32 $0x200, v4;
	v5 =	vld.idx.msk [tilespmem:v58+s11+$0x0], vm0  }
0x17e: {  	v60 =	vor.u32 $0x280, v3;
	_ =	sdelay $0x3  }
0x17f: {  	[tilespmem:v59+s18+$0x0] =	vst.idx.msk vm0, v5  }
0x180: {  	v61 =	vor.u32 $0x280, v4;
	v5 =	vld.idx.msk [tilespmem:v60+s11+$0x0], vm0  }
0x181: {  	v62 =	vor.u32 $0x300, v3;
	_ =	sdelay $0x3  }
0x182: {  	[tilespmem:v61+s18+$0x0] =	vst.idx.msk vm0, v5  }
0x183: {  	v63 =	vor.u32 $0x300, v4;
	v5 =	vld.idx.msk [tilespmem:v62+s11+$0x0], vm0  }
0x184: {  	v3 =	vor.u32 $0x380, v3;
	_ =	sdelay $0x3  }
0x185: {  	[tilespmem:v63+s18+$0x0] =	vst.idx.msk vm0, v5  }
0x186: {  	v4 =	vor.u32 $0x380, v4;
	v3 =	vld.idx.msk [tilespmem:v3+s11+$0x0], vm0;
	_ =	sdelay $0x4  }
0x187: {  	[tilespmem:v4+s18+$0x0] =	vst.idx.msk vm0, v3  }
.LBB2_20:
.Ltmp15:
0x188: {  	(pc) =	sbr.rel @p2 .LBB2_22-.Ltmp15, $1  }
0x189: {  	_ =	sdelay $0x3  }
.Ltmp16:
0x18a: {  	s0 =	sshll.u32 s29, $0x10;
	(pc) =	sbr.rel .LBB2_8-.Ltmp16, $4  }
0x18b: {  	s0 =	sadd.s32 s0, s28  }
0x18c: {  	s0 =	sshrl.u32 s0, $0x3  }
0x18d: {  	s29 =	sadd.s32 $0x1, s29;
	s0 =	sadd.s32 s1, s0  }
0x18e: {  	[tilespmem:s11], [sflag:$0x2] =	stream.linear.gather [hbm4b:s0+s4], $0x8000, $0x38;
	[tilespmem:$0x1B580] =	vst v63  }
.LBB2_10:
.Ltmp17:
0x18f: {  	(pc) =	sbr.rel .LBB2_13-.Ltmp17, $2  }
0x190: {  	_ =	sdelay $0x2  }
0x191: {  	_ = 	snop  }
.LBB2_16:
.Ltmp18:
0x192: {  	(pc) =	sbr.rel .LBB2_19-.Ltmp18, $2  }
0x193: {  	_ =	sdelay $0x2  }
0x194: {  	_ = 	snop  }
.LBB2_22:
0x195: {  	s0 =	sadd.s32 $0x18000, s24;
	s31 =	ssub.s32 s25, s23  }
0x196: {  	[tilespmem:s10], [sflag:$0x1] =	stream.linear.gather [hbm4b:s0+s4], $0x3400, $0x38;
	[tilespmem:$0x1B580] =	vst v63  }
0x197: {  	s0 =	sadd.s32 $0xF, s31  }
0x198: {  	s0 =	sshrl.u32 s0, $0x4  }
0x199: {  	p1 =	seq.s32 s0, $0x0  }
.Ltmp19:
0x19a: {  	_ = 	snop;
	(pc) =	sbr.rel @p1 .LBB2_31-.Ltmp19, $4  }
0x19b: {  	_ = 	snop  }
0x19c: {  	_ =	swait.ge [sflag:s9], $0x3400  }
0x19d: {  	s2 =	sshll.u32 s22, $0x7;
	[sflag:s9] =	ssyncset.done $0x0  }
0x19e: {  	s2 =	sadd.s32 s7, s2;
	[sflag:s9] =	ssyncadd.s32 $0xFFFFCC00  }
0x19f: {  	p3 =	sne.s32 s0, $0x1  }
.Ltmp20:
0x1a0: {  	_ = 	snop;
	(pc) =	sbr.rel @!p3 .LBB2_26-.Ltmp20, $4  }
0x1a1: {  	_ = 	snop  }
0x1a2: {  	v3 =	vmov s25;
	v4 =	vadd.s32 s23, v1  }
0x1a3: {  	vm0 =	vlt.s32 v4, v3  }
0x1a4: {  	s24 =	sadd.s32 $0xFFFFFFFF, s0;
	p1 =	por $0x0, $0x0;
	p2 =	por $0x0, $0x0;
	v5 =	vmov v4;
	vm2 =	vmmov vm0  }
0x1a5: {  	_ =	sdelay $0x4  }
0x1a6: {  	v5 =	vld.idx.msk [tilespmem:v4+s14+$0x0], vm0;
	_ =	sdelay $0x4  }
0x1a7: {  	v6 =	vadd.s32 $0xFFFE8000, v5  }
0x1a8: {  	v8 =	vld.idx.msk [tilespmem:v4+s15+$0x0], vm0;
	v7 =	vshll.u32 v5, $0x3;
	vm1 =	vlt.u32 v6, $0x680  }
0x1a9: {  	v5 =	vand.u32 $0x7F, v5;
	v6 =	vand.u32 $0x7C00, v7;
	vm1 =	vmand vm0, vm1  }
0x1aa: {  	v5 =	vor.u32 v5, v6;
	_ =	sdelay $0x2  }
0x1ab: {  	v6 =	vshll.u32 v8, $0x3  }
0x1ac: {  	v7 =	vand.u32 $0x7F, v8;
	v6 =	vand.u32 $0xFFFFFC00, v6  }
0x1ad: {  	v7 =	vor.u32 v7, v6;
	v8 =	vld.idx.msk [tilespmem:v5+s10+$0x0], vm1  }
0x1ae: {  	v6 =	vor.u32 $0x80, v5;
	_ =	sdelay $0x3  }
0x1af: {  	[tilespmem:v7+s18+$0x0] =	vst.idx.msk vm1, v8  }
0x1b0: {  	v8 =	vor.u32 $0x80, v7;
	v6 =	vld.idx.msk [tilespmem:v6+s10+$0x0], vm1  }
0x1b1: {  	v9 =	vor.u32 $0x100, v5;
	_ =	sdelay $0x3  }
0x1b2: {  	[tilespmem:v8+s18+$0x0] =	vst.idx.msk vm1, v6  }
0x1b3: {  	v8 =	vor.u32 $0x100, v7;
	v6 =	vld.idx.msk [tilespmem:v9+s10+$0x0], vm1  }
0x1b4: {  	v59 =	vor.u32 $0x180, v5;
	_ =	sdelay $0x3  }
0x1b5: {  	[tilespmem:v8+s18+$0x0] =	vst.idx.msk vm1, v6  }
0x1b6: {  	v8 =	vor.u32 $0x180, v7;
	v6 =	vld.idx.msk [tilespmem:v59+s10+$0x0], vm1  }
0x1b7: {  	v60 =	vor.u32 $0x200, v5;
	_ =	sdelay $0x3  }
0x1b8: {  	[tilespmem:v8+s18+$0x0] =	vst.idx.msk vm1, v6  }
0x1b9: {  	v8 =	vor.u32 $0x200, v7;
	v6 =	vld.idx.msk [tilespmem:v60+s10+$0x0], vm1  }
0x1ba: {  	v61 =	vor.u32 $0x280, v5;
	_ =	sdelay $0x3  }
0x1bb: {  	[tilespmem:v8+s18+$0x0] =	vst.idx.msk vm1, v6  }
0x1bc: {  	v8 =	vor.u32 $0x280, v7;
	v6 =	vld.idx.msk [tilespmem:v61+s10+$0x0], vm1  }
0x1bd: {  	v62 =	vor.u32 $0x300, v5;
	_ =	sdelay $0x3  }
0x1be: {  	[tilespmem:v8+s18+$0x0] =	vst.idx.msk vm1, v6  }
0x1bf: {  	v8 =	vor.u32 $0x300, v7;
	v6 =	vld.idx.msk [tilespmem:v62+s10+$0x0], vm1  }
0x1c0: {  	p3 =	sne.s32 s24, $0x1;
	v63 =	vor.u32 $0x380, v5  }
.Ltmp21:
0x1c1: {  	_ = 	snop;
	(pc) =	sbr.rel @!p3 .LBB2_26-.Ltmp21, $4  }
0x1c2: {  	_ = 	snop  }
0x1c3: {  	s8 =	sadd.s32 $0x10, s23  }
0x1c4: {  	v5 =	vadd.s32 s8, v1;
	[tilespmem:v8+s18+$0x0] =	vst.idx.msk vm1, v6  }
0x1c5: {  	s20 =	sadd.s32 $0xFFFFFFFF, s24;
	p2 =	por $0x1, $0x1;
	vm2 =	vlt.s32 v5, v3;
	v7 =	vor.u32 $0x380, v7;
	v6 =	vld.idx.msk [tilespmem:v63+s10+$0x0], vm1  }
.LBB2_25:
0x1c6: {  	_ =	sdelay $0x3  }
0x1c7: {  	p3 =	sne.s32 s20, $0x1;
	s20 =	sadd.s32 $0xFFFFFFFF, s20;
	[tilespmem:v7+s18+$0x0] =	vst.idx.msk vm1, v6  }
0x1c8: {  	v6 =	vld.idx.msk [tilespmem:v5+s14+$0x0], vm2;
	_ =	sdelay $0x5  }
0x1c9: {  	v7 =	vadd.s32 $0xFFFE8000, v6;
	v8 =	vshll.u32 v6, $0x3  }
0x1ca: {  	vm1 =	vlt.u32 v7, $0x680;
	v7 =	vand.u32 $0x7C00, v8;
	v5 =	vld.idx.msk [tilespmem:v5+s15+$0x0], vm2  }
0x1cb: {  	v6 =	vand.u32 $0x7F, v6;
	vm1 =	vmand vm2, vm1  }
0x1cc: {  	v6 =	vor.u32 v6, v7;
	_ =	sdelay $0x3  }
0x1cd: {  	v7 =	vshll.u32 v5, $0x3  }
0x1ce: {  	v5 =	vand.u32 $0x7F, v5;
	v7 =	vand.u32 $0xFFFFFC00, v7;
	v8 =	vld.idx.msk [tilespmem:v6+s10+$0x0], vm1  }
0x1cf: {  	v7 =	vor.u32 v5, v7  }
0x1d0: {  	v5 =	vor.u32 $0x80, v6;
	_ =	sdelay $0x3  }
0x1d1: {  	[tilespmem:v7+s18+$0x0] =	vst.idx.msk vm1, v8  }
0x1d2: {  	v5 =	vld.idx.msk [tilespmem:v5+s10+$0x0], vm1  }
0x1d3: {  	v8 =	vor.u32 $0x80, v7  }
0x1d4: {  	v9 =	vor.u32 $0x100, v6;
	_ =	sdelay $0x3  }
0x1d5: {  	[tilespmem:v8+s18+$0x0] =	vst.idx.msk vm1, v5  }
0x1d6: {  	v5 =	vld.idx.msk [tilespmem:v9+s10+$0x0], vm1  }
0x1d7: {  	v8 =	vor.u32 $0x100, v7  }
0x1d8: {  	v9 =	vor.u32 $0x180, v6;
	_ =	sdelay $0x3  }
0x1d9: {  	[tilespmem:v8+s18+$0x0] =	vst.idx.msk vm1, v5  }
0x1da: {  	v5 =	vld.idx.msk [tilespmem:v9+s10+$0x0], vm1  }
0x1db: {  	v8 =	vor.u32 $0x180, v7  }
0x1dc: {  	v9 =	vor.u32 $0x200, v6;
	_ =	sdelay $0x3  }
0x1dd: {  	[tilespmem:v8+s18+$0x0] =	vst.idx.msk vm1, v5  }
0x1de: {  	v5 =	vld.idx.msk [tilespmem:v9+s10+$0x0], vm1  }
0x1df: {  	v8 =	vor.u32 $0x200, v7  }
0x1e0: {  	v9 =	vor.u32 $0x280, v6;
	_ =	sdelay $0x3  }
0x1e1: {  	[tilespmem:v8+s18+$0x0] =	vst.idx.msk vm1, v5  }
0x1e2: {  	v5 =	vld.idx.msk [tilespmem:v9+s10+$0x0], vm1  }
0x1e3: {  	v8 =	vor.u32 $0x280, v7  }
0x1e4: {  	v9 =	vor.u32 $0x300, v6;
	_ =	sdelay $0x3  }
0x1e5: {  	[tilespmem:v8+s18+$0x0] =	vst.idx.msk vm1, v5  }
0x1e6: {  	v5 =	vld.idx.msk [tilespmem:v9+s10+$0x0], vm1  }
0x1e7: {  	v8 =	vor.u32 $0x300, v7  }
0x1e8: {  	v6 =	vor.u32 $0x380, v6;
	_ =	sdelay $0x1  }
.Ltmp22:
0x1e9: {  	(pc) =	sbr.rel @p3 .LBB2_25-.Ltmp22, $4  }
0x1ea: {  	_ = 	snop  }
0x1eb: {  	s8 =	sadd.s32 $0x10, s8;
	[tilespmem:v8+s18+$0x0] =	vst.idx.msk vm1, v5  }
0x1ec: {  	v5 =	vadd.s32 s8, v1;
	v6 =	vld.idx.msk [tilespmem:v6+s10+$0x0], vm1  }
0x1ed: {  	v7 =	vor.u32 $0x380, v7;
	vm2 =	vlt.s32 v5, v3  }
.LBB2_26:
0x1ee: {  	_ =	sdelay $0x4  }
0x1ef: {  	[tilespmem:v7+s18+$0x0] =	vst.idx.msk @p2 vm1, v6  }
0x1f0: {  	v6 =	vld.idx.msk [tilespmem:v5+s14+$0x0], vm2;
	_ =	sdelay $0x4  }
0x1f1: {  	v7 =	vadd.s32 $0xFFFE8000, v6  }
0x1f2: {  	v5 =	vld.idx.msk [tilespmem:v5+s15+$0x0], vm2;
	v8 =	vshll.u32 v6, $0x3;
	vm1 =	vlt.u32 v7, $0x680  }
0x1f3: {  	v6 =	vand.u32 $0x7F, v6;
	v7 =	vand.u32 $0x7C00, v8;
	vm1 =	vmand vm2, vm1  }
0x1f4: {  	v6 =	vor.u32 v6, v7;
	_ =	sdelay $0x2  }
0x1f5: {  	v7 =	vshll.u32 v5, $0x3  }
0x1f6: {  	v5 =	vand.u32 $0x7F, v5;
	v7 =	vand.u32 $0xFFFFFC00, v7  }
0x1f7: {  	v5 =	vor.u32 v5, v7;
	v53 =	vld.idx.msk [tilespmem:v6+s10+$0x0], vm1  }
0x1f8: {  	v7 =	vor.u32 $0x80, v6;
	_ =	sdelay $0x3  }
0x1f9: {  	[tilespmem:v5+s18+$0x0] =	vst.idx.msk vm1, v53  }
0x1fa: {  	v54 =	vor.u32 $0x80, v5;
	v7 =	vld.idx.msk [tilespmem:v7+s10+$0x0], vm1  }
0x1fb: {  	v9 =	vor.u32 $0x100, v6;
	_ =	sdelay $0x3  }
0x1fc: {  	[tilespmem:v54+s18+$0x0] =	vst.idx.msk vm1, v7  }
0x1fd: {  	v55 =	vor.u32 $0x100, v5;
	v7 =	vld.idx.msk [tilespmem:v9+s10+$0x0], vm1  }
0x1fe: {  	v56 =	vor.u32 $0x180, v6;
	_ =	sdelay $0x3  }
0x1ff: {  	[tilespmem:v55+s18+$0x0] =	vst.idx.msk vm1, v7  }
0x200: {  	v57 =	vor.u32 $0x180, v5;
	v7 =	vld.idx.msk [tilespmem:v56+s10+$0x0], vm1  }
0x201: {  	v58 =	vor.u32 $0x200, v6;
	_ =	sdelay $0x3  }
0x202: {  	[tilespmem:v57+s18+$0x0] =	vst.idx.msk vm1, v7  }
0x203: {  	v59 =	vor.u32 $0x200, v5;
	v7 =	vld.idx.msk [tilespmem:v58+s10+$0x0], vm1  }
0x204: {  	v60 =	vor.u32 $0x280, v6;
	_ =	sdelay $0x3  }
0x205: {  	[tilespmem:v59+s18+$0x0] =	vst.idx.msk vm1, v7  }
0x206: {  	v61 =	vor.u32 $0x280, v5;
	v7 =	vld.idx.msk [tilespmem:v60+s10+$0x0], vm1  }
0x207: {  	v62 =	vor.u32 $0x300, v6;
	_ =	sdelay $0x3  }
0x208: {  	[tilespmem:v61+s18+$0x0] =	vst.idx.msk vm1, v7  }
0x209: {  	v63 =	vor.u32 $0x300, v5;
	v7 =	vld.idx.msk [tilespmem:v62+s10+$0x0], vm1  }
0x20a: {  	v6 =	vor.u32 $0x380, v6;
	_ =	sdelay $0x3  }
0x20b: {  	[tilespmem:v63+s18+$0x0] =	vst.idx.msk vm1, v7  }
0x20c: {  	v5 =	vor.u32 $0x380, v5;
	v6 =	vld.idx.msk [tilespmem:v6+s10+$0x0], vm1;
	_ =	sdelay $0x3  }
0x20d: {  	p2 =	seq.s32 s0, $0x1  }
.Ltmp23:
0x20e: {  	[tilespmem:v5+s18+$0x0] =	vst.idx.msk vm1, v6;
	(pc) =	sbr.rel @p2 .LBB2_27-.Ltmp23, $4  }
0x20f: {  	[tilespmem:s17], [sflag:$0x1] =	stream.linear.gather [hbm4b:s2+s4], $0x400, $0x38;
	[tilespmem:$0x1B580] =	vst v63  }
0x210: {  	_ =	swait.ge [sflag:s9], $0x400  }
0x211: {  	[sflag:s9] =	ssyncset.done $0x0  }
0x212: {  	[sflag:s9] =	ssyncadd.s32 $0xFFFFFC00  }
0x213: {  	_ =	sdelay $0x4  }
0x214: {  	v5 =	vld.idx.msk [tilespmem:v4+s14+$0x0], vm0;
	_ =	sdelay $0x4  }
0x215: {  	v4 =	vld.idx.msk [tilespmem:v4+s15+$0x0], vm0;
	vm1 =	vgt.s32 v5, $0x1867F;
	v5 =	vadd.s32 $0xFFFE7980, v5  }
0x216: {  	vm1 =	vmand vm0, vm1;
	vm0 =	vgt.s32 v5, $0x0  }
0x217: {  	v5 =	vnsel vm0, $0x0, v5;
	_ =	sdelay $0x2  }
0x218: {  	v6 =	vshll.u32 v4, $0x3  }
0x219: {  	v4 =	vand.u32 $0x7F, v4;
	v6 =	vand.u32 $0xFFFFFC00, v6  }
0x21a: {  	v6 =	vor.u32 v4, v6;
	v7 =	vld.idx.msk [tilespmem:v5+s17+$0x0], vm1  }
0x21b: {  	v4 =	vadd.s32 $0x80, v5;
	_ =	sdelay $0x3  }
0x21c: {  	[tilespmem:v6+s18+$0x0] =	vst.idx.msk vm1, v7  }
0x21d: {  	v7 =	vor.u32 $0x80, v6;
	v4 =	vld.idx.msk [tilespmem:v4+s17+$0x0], vm1  }
0x21e: {  	v8 =	vadd.s32 $0x100, v5;
	_ =	sdelay $0x3  }
0x21f: {  	[tilespmem:v7+s18+$0x0] =	vst.idx.msk vm1, v4  }
0x220: {  	v7 =	vor.u32 $0x100, v6;
	v4 =	vld.idx.msk [tilespmem:v8+s17+$0x0], vm1  }
0x221: {  	v8 =	vadd.s32 $0x180, v5;
	_ =	sdelay $0x3  }
0x222: {  	[tilespmem:v7+s18+$0x0] =	vst.idx.msk vm1, v4  }
0x223: {  	v7 =	vor.u32 $0x180, v6;
	v4 =	vld.idx.msk [tilespmem:v8+s17+$0x0], vm1  }
0x224: {  	v8 =	vadd.s32 $0x200, v5;
	_ =	sdelay $0x3  }
0x225: {  	[tilespmem:v7+s18+$0x0] =	vst.idx.msk vm1, v4  }
0x226: {  	v7 =	vor.u32 $0x200, v6;
	v4 =	vld.idx.msk [tilespmem:v8+s17+$0x0], vm1  }
0x227: {  	v8 =	vadd.s32 $0x280, v5;
	_ =	sdelay $0x3  }
0x228: {  	[tilespmem:v7+s18+$0x0] =	vst.idx.msk vm1, v4  }
0x229: {  	v7 =	vor.u32 $0x280, v6;
	v4 =	vld.idx.msk [tilespmem:v8+s17+$0x0], vm1  }
0x22a: {  	v8 =	vadd.s32 $0x300, v5;
	_ =	sdelay $0x3  }
0x22b: {  	[tilespmem:v7+s18+$0x0] =	vst.idx.msk vm1, v4  }
0x22c: {  	v7 =	vor.u32 $0x300, v6;
	v4 =	vld.idx.msk [tilespmem:v8+s17+$0x0], vm1  }
0x22d: {  	p2 =	seq.s32 s24, $0x1;
	v5 =	vadd.s32 $0x380, v5  }
.Ltmp24:
0x22e: {  	_ = 	snop;
	(pc) =	sbr.rel @p2 .LBB2_30-.Ltmp24, $4  }
0x22f: {  	_ = 	snop  }
0x230: {  	s0 =	sadd.s32 $0x10, s23  }
0x231: {  	[tilespmem:v7+s18+$0x0] =	vst.idx.msk vm1, v4;
	v4 =	vadd.s32 s0, v1  }
0x232: {  	s2 =	sadd.s32 $0xFFFFFFFF, s24;
	p1 =	por $0x1, $0x1;
	v6 =	vor.u32 $0x380, v6;
	v5 =	vld.idx.msk [tilespmem:v5+s17+$0x0], vm1;
	vm0 =	vlt.s32 v4, v3  }
.LBB2_29:
0x233: {  	_ =	sdelay $0x3  }
0x234: {  	p2 =	seq.s32 s2, $0x1;
	s2 =	sadd.s32 $0xFFFFFFFF, s2;
	[tilespmem:v6+s18+$0x0] =	vst.idx.msk vm1, v5  }
0x235: {  	v5 =	vld.idx.msk [tilespmem:v4+s14+$0x0], vm0;
	_ =	sdelay $0x5  }
0x236: {  	vm1 =	vgt.s32 v5, $0x1867F;
	v5 =	vadd.s32 $0xFFFE7980, v5;
	v4 =	vld.idx.msk [tilespmem:v4+s15+$0x0], vm0  }
0x237: {  	vm1 =	vmand vm0, vm1;
	vm0 =	vgt.s32 v5, $0x0  }
0x238: {  	v5 =	vnsel vm0, $0x0, v5;
	_ =	sdelay $0x3  }
0x239: {  	v6 =	vshll.u32 v4, $0x3  }
0x23a: {  	v4 =	vand.u32 $0x7F, v4;
	v6 =	vand.u32 $0xFFFFFC00, v6;
	v7 =	vld.idx.msk [tilespmem:v5+s17+$0x0], vm1  }
0x23b: {  	v6 =	vor.u32 v4, v6  }
0x23c: {  	v4 =	vadd.s32 $0x80, v5;
	_ =	sdelay $0x3  }
0x23d: {  	[tilespmem:v6+s18+$0x0] =	vst.idx.msk vm1, v7  }
0x23e: {  	v4 =	vld.idx.msk [tilespmem:v4+s17+$0x0], vm1  }
0x23f: {  	v7 =	vor.u32 $0x80, v6  }
0x240: {  	v8 =	vadd.s32 $0x100, v5;
	_ =	sdelay $0x3  }
0x241: {  	[tilespmem:v7+s18+$0x0] =	vst.idx.msk vm1, v4  }
0x242: {  	v4 =	vld.idx.msk [tilespmem:v8+s17+$0x0], vm1  }
0x243: {  	v7 =	vor.u32 $0x100, v6  }
0x244: {  	v8 =	vadd.s32 $0x180, v5;
	_ =	sdelay $0x3  }
0x245: {  	[tilespmem:v7+s18+$0x0] =	vst.idx.msk vm1, v4  }
0x246: {  	v4 =	vld.idx.msk [tilespmem:v8+s17+$0x0], vm1  }
0x247: {  	v7 =	vor.u32 $0x180, v6  }
0x248: {  	v8 =	vadd.s32 $0x200, v5;
	_ =	sdelay $0x3  }
0x249: {  	[tilespmem:v7+s18+$0x0] =	vst.idx.msk vm1, v4  }
0x24a: {  	v4 =	vld.idx.msk [tilespmem:v8+s17+$0x0], vm1  }
0x24b: {  	v7 =	vor.u32 $0x200, v6  }
0x24c: {  	v8 =	vadd.s32 $0x280, v5;
	_ =	sdelay $0x3  }
0x24d: {  	[tilespmem:v7+s18+$0x0] =	vst.idx.msk vm1, v4  }
0x24e: {  	v4 =	vld.idx.msk [tilespmem:v8+s17+$0x0], vm1  }
0x24f: {  	v7 =	vor.u32 $0x280, v6  }
0x250: {  	v8 =	vadd.s32 $0x300, v5;
	_ =	sdelay $0x3  }
0x251: {  	[tilespmem:v7+s18+$0x0] =	vst.idx.msk vm1, v4  }
0x252: {  	v4 =	vld.idx.msk [tilespmem:v8+s17+$0x0], vm1  }
0x253: {  	v7 =	vor.u32 $0x300, v6  }
0x254: {  	v5 =	vadd.s32 $0x380, v5;
	_ =	sdelay $0x1  }
.Ltmp25:
0x255: {  	(pc) =	sbr.rel @!p2 .LBB2_29-.Ltmp25, $4  }
0x256: {  	_ = 	snop  }
0x257: {  	s0 =	sadd.s32 $0x10, s0;
	[tilespmem:v7+s18+$0x0] =	vst.idx.msk vm1, v4  }
0x258: {  	v4 =	vadd.s32 s0, v1;
	v5 =	vld.idx.msk [tilespmem:v5+s17+$0x0], vm1  }
0x259: {  	v6 =	vor.u32 $0x380, v6;
	vm0 =	vlt.s32 v4, v3  }
.LBB2_30:
0x25a: {  	_ =	sdelay $0x4  }
0x25b: {  	[tilespmem:v6+s18+$0x0] =	vst.idx.msk @p1 vm1, v5  }
0x25c: {  	v3 =	vld.idx.msk [tilespmem:v4+s14+$0x0], vm0;
	_ =	sdelay $0x4  }
0x25d: {  	v51 =	vld.idx.msk [tilespmem:v4+s15+$0x0], vm0;
	vm13 =	vgt.s32 v3, $0x1867F;
	v3 =	vadd.s32 $0xFFFE7980, v3  }
0x25e: {  	vm14 =	vmand vm0, vm13;
	vm15 =	vgt.s32 v3, $0x0  }
0x25f: {  	v3 =	vnsel vm15, $0x0, v3;
	_ =	sdelay $0x2  }
0x260: {  	v52 =	vshll.u32 v51, $0x3  }
0x261: {  	v4 =	vand.u32 $0x7F, v51;
	v5 =	vand.u32 $0xFFFFFC00, v52  }
0x262: {  	v4 =	vor.u32 v4, v5;
	v6 =	vld.idx.msk [tilespmem:v3+s17+$0x0], vm14  }
0x263: {  	v53 =	vadd.s32 $0x80, v3;
	_ =	sdelay $0x3  }
0x264: {  	[tilespmem:v4+s18+$0x0] =	vst.idx.msk vm14, v6  }
0x265: {  	v54 =	vor.u32 $0x80, v4;
	v5 =	vld.idx.msk [tilespmem:v53+s17+$0x0], vm14  }
0x266: {  	v7 =	vadd.s32 $0x100, v3;
	_ =	sdelay $0x3  }
0x267: {  	[tilespmem:v54+s18+$0x0] =	vst.idx.msk vm14, v5  }
0x268: {  	v55 =	vor.u32 $0x100, v4;
	v5 =	vld.idx.msk [tilespmem:v7+s17+$0x0], vm14  }
0x269: {  	v56 =	vadd.s32 $0x180, v3;
	_ =	sdelay $0x3  }
0x26a: {  	[tilespmem:v55+s18+$0x0] =	vst.idx.msk vm14, v5  }
0x26b: {  	v57 =	vor.u32 $0x180, v4;
	v5 =	vld.idx.msk [tilespmem:v56+s17+$0x0], vm14  }
0x26c: {  	v58 =	vadd.s32 $0x200, v3;
	_ =	sdelay $0x3  }
0x26d: {  	[tilespmem:v57+s18+$0x0] =	vst.idx.msk vm14, v5  }
0x26e: {  	v59 =	vor.u32 $0x200, v4;
	v5 =	vld.idx.msk [tilespmem:v58+s17+$0x0], vm14  }
0x26f: {  	v60 =	vadd.s32 $0x280, v3;
	_ =	sdelay $0x3  }
0x270: {  	[tilespmem:v59+s18+$0x0] =	vst.idx.msk vm14, v5  }
0x271: {  	v61 =	vor.u32 $0x280, v4;
	v5 =	vld.idx.msk [tilespmem:v60+s17+$0x0], vm14  }
0x272: {  	v62 =	vadd.s32 $0x300, v3;
	_ =	sdelay $0x3  }
0x273: {  	[tilespmem:v61+s18+$0x0] =	vst.idx.msk vm14, v5  }
0x274: {  	v63 =	vor.u32 $0x300, v4;
	v5 =	vld.idx.msk [tilespmem:v62+s17+$0x0], vm14  }
0x275: {  	v3 =	vadd.s32 $0x380, v3;
	_ =	sdelay $0x3  }
0x276: {  	[tilespmem:v63+s18+$0x0] =	vst.idx.msk vm14, v5  }
0x277: {  	v4 =	vor.u32 $0x380, v4;
	v3 =	vld.idx.msk [tilespmem:v3+s17+$0x0], vm14  }
.Ltmp26:
0x278: {  	_ = 	snop;
	(pc) =	sbr.rel .LBB2_32-.Ltmp26, $2  }
0x279: {  	_ =	sdelay $0x2  }
0x27a: {  	[tilespmem:v4+s18+$0x0] =	vst.idx.msk vm14, v3  }
.LBB2_27:
.Ltmp27:
0x27b: {  	(pc) =	sbr.rel .LBB2_30-.Ltmp27, $2  }
0x27c: {  	_ =	sdelay $0x2  }
0x27d: {  	_ = 	snop  }
.LBB2_35:
0x27e: {  	_ =	sfence.sel $0x180000  }
0x27f: {  	[bflag:$0x0] =	sbarrier.arrive $0xFFFF  }
0x280: {  	_ =	strace $0x90000047  }
0x281: {  	s0 =	stileid.u32;
	[bflag:$0x2] =	sbarrier.arrive $0xFFFF  }
0x282: {  	p0 =	sne.s32 s0, $0x0;
	s0 =	rddreg [dreg:$0x3]  }
0x283: {  	s0 =	sadd.s32 @!p0 $0x100000, s0  }
0x284: {  	[sflag:s0] =	ssyncadd.tile.s32 @!p0 $0x1;
	_ =	shalt  }
.Lfunc_end2:
_tile_overlayer_lowered:
.L_overlay_start_2:
0x285: {  	(tag) =	ssettag $0x2  }
0x286: {  	s0 =	rddreg [dreg:$0x0];
	s2 =	stileid.u32  }
0x287: {  	s1 =	rddreg [dreg:$0x1];
	p0 =	sne.s32 s2, $0x0  }
0x288: {  	s3 =	rddreg [dreg:$0x2];
	[bflag:$0x3] =	sbarrier.arrive $0xFFFF;
	s2 =	simm.s32 @!p0 $0x1C03  }
0x289: {  	[timem:s3], [sflag:s2] =	dma.local @!p0 [hbm:s0], s1  }
0x28a: {  	s0 =	simm.s32 @!p0 $0x3  }
0x28b: {  	_ =	swait.ge @!p0 [sflag:s0], s1  }
0x28c: {  	s1 =	ssub.s32 @!p0 $0x0, s1;
	[sflag:s0] =	ssyncset.done @!p0 $0x0  }
0x28d: {  	[sflag:s0] =	ssyncadd.s32 @!p0 s1  }
0x28e: {  	[bflag:$0x3] =	sbarrier.arrive $0xFFFF  }
0x28f: {  	_ =	shalt  }

</sc_bundles>
